<compile_context>
chip_gen: v7x
topology: tpu7x:2x2x1
jax: 0.10.2.dev20260603
libtpu: 0.0.44.dev20260713+nightly
codegen_flags: <defaults>
</compile_context>

<pallas_src>
import functools

import jax
import jax.numpy as jnp
from jax import lax
from jax.experimental import pallas as pl
from jax.experimental.pallas import tpu as pltpu
from jax.experimental.pallas import tpu_sc as plsc

B = 4096
N0 = 3190
E0 = 51040

NP = 3328
R = 512

NC = 2
NS = 16
ECH = 128
NCH_T = 13
EPT = NCH_T * ECH
ESC = NC * NS * EPT


def _sc_seg_kernel(x0_hbm, src_hbm, dst_hbm, zero_hbm, out_hbm,
                   src_v, dst_v, rows_v, acc_sh, sem):
    cid = lax.axis_index("c")
    sid = lax.axis_index("s")
    wid = sid * NC + cid

    @pl.when(sid == 0)
    def _():
        pltpu.sync_copy(zero_hbm, acc_sh)

    plsc.subcore_barrier()

    pltpu.sync_copy(src_hbm.at[wid], src_v)
    pltpu.sync_copy(dst_hbm.at[wid], dst_v)
    for j in range(NCH_T):
        pltpu.async_copy(x0_hbm.at[src_v.at[j]], rows_v, sem).wait()
        pltpu.sync_copy(rows_v, acc_sh.at[dst_v.at[j]], add=True)

    plsc.subcore_barrier()

    @pl.when(sid == 0)
    def _():
        pltpu.sync_copy(acc_sh, out_hbm.at[cid])


_sc_seg = functools.partial(
    pl.kernel,
    mesh=plsc.VectorSubcoreMesh(
        core_axis_name="c", subcore_axis_name="s", num_cores=NC),
    out_type=jax.ShapeDtypeStruct((NC, NP, 128), jnp.float32),
    scratch_types=[
        pltpu.VMEM((NCH_T, ECH), jnp.int32),
        pltpu.VMEM((NCH_T, ECH), jnp.int32),
        pltpu.VMEM((ECH, 128), jnp.float32),
        pltpu.VMEM_SHARED((NP, 128), jnp.float32),
        pltpu.SemaphoreType.DMA,
    ],
)(_sc_seg_kernel)


def _main_kernel(x2_ref, w1_ref, w2_ref, b2_ref, w3_ref, b3_ref, x0t_ref,
                 agg_ref, x0p_ref, w1l_ref, w1r_ref, w1rh_ref, b1l_ref, w2l_ref,
                 b2l_ref, w2r_ref, lin_ref, linb_ref, out_ref):
    acc = agg_ref[0] + agg_ref[1]
    cnt = acc[:, 10:11]
    mean = acc / jnp.maximum(cnt, 1.0)
    out1 = jnp.maximum(
        jnp.dot(mean, w1l_ref[...], preferred_element_type=jnp.float32)
        + b1l_ref[...]
        + jnp.dot(x0p_ref[...], w1r_ref[...],
                  preferred_element_type=jnp.float32),
        0.0)

    x2 = x2_ref[...]
    h1 = jnp.maximum(
        jnp.dot(x2, w1_ref[...], preferred_element_type=jnp.float32), 0.0)
    h2 = jnp.maximum(
        jnp.dot(h1, w2_ref[...], preferred_element_type=jnp.float32)
        + b2_ref[...], 0.0)
    h = jnp.maximum(
        jnp.dot(h2, w3_ref[...], preferred_element_type=jnp.float32)
        + b3_ref[...], 0.0)

    x0t = x0t_ref[...]
    a = jnp.dot(h, x0t, preferred_element_type=jnp.float32)
    norm = jnp.sqrt(jnp.sum(h * h, axis=1, keepdims=True))
    norm0 = jnp.sqrt(jnp.sum(x0t * x0t, axis=0, keepdims=True))
    a = a / norm / norm0
    col = lax.broadcasted_iota(jnp.int32, (R, NP), 1)
    neg = jnp.float32(-jnp.inf)
    a = jnp.where(col < N0, a, neg)
    a = jnp.where(jnp.isnan(a), jnp.float32(jnp.inf), a)

    idxs = []
    v0 = None
    for k in range(6):
        v = jnp.max(a, axis=1, keepdims=True)
        if k == 0:
            v0 = v
        imax = jnp.min(jnp.where(a == v, col, NP), axis=1, keepdims=True)
        idxs.append(imax)
        a = jnp.where(col == imax, neg, a)

    sel = v0 == 1.0
    s_mat = jnp.zeros((R, NP), jnp.float32)
    for k in range(5):
        pick = jnp.where(sel, idxs[k + 1], idxs[k])
        s_mat = s_mat + (col == pick).astype(jnp.float32)

    msum = jnp.dot(s_mat, out1, preferred_element_type=jnp.float32)
    mean5 = msum / 5.0

    h1h = jnp.maximum(
        b1l_ref[...]
        + jnp.dot(h, w1rh_ref[...], preferred_element_type=jnp.float32), 0.0)

    o2 = (jnp.dot(mean5, w2l_ref[...], preferred_element_type=jnp.float32)
          + b2l_ref[...]
          + jnp.dot(h1h, w2r_ref[...], preferred_element_type=jnp.float32))
    z = (jnp.dot(o2, lin_ref[...], preferred_element_type=jnp.float32)
         + linb_ref[...])
    zm = jnp.max(z, axis=1, keepdims=True)
    e = jnp.exp(z - zm)
    out_ref[...] = e / jnp.sum(e, axis=1, keepdims=True)


def _pad2(m, rows, cols):
    return jnp.zeros((rows, cols), jnp.float32).at[:m.shape[0], :m.shape[1]].set(m)


@jax.jit
def kernel(x, emb_table, fc_w, fc_b, fc2_w, fc2_b, conv1_wl, conv1_bl,
           conv1_wr, conv2_wl, conv2_bl, conv2_wr, lin_w, lin_b, x0, edge_0):
    x2 = jnp.transpose(x, (1, 0, 2)).reshape(B, 300)
    w1 = jnp.kron(jnp.eye(60, dtype=jnp.float32), emb_table)
    w2 = (fc_w.T[:, None, :, None]
          * jnp.eye(5, dtype=jnp.float32)[None, :, None, :]).reshape(300, 100)
    b2 = jnp.repeat(fc_b, 5)[None, :]
    w3 = _pad2(fc2_w.T, 100, 16)
    b3 = _pad2(fc2_b[None, :], 1, 16)

    x0p = _pad2(x0, NP, 128).at[:, 10].set(1.0)
    x0t = _pad2(x0.T, 16, NP)

    pad_e = jnp.full((2, ESC - E0), NP - 1, dtype=edge_0.dtype)
    ep = jnp.concatenate([edge_0, pad_e], axis=1)
    srcp = ep[0].reshape(NC * NS, NCH_T, ECH)
    dstp = ep[1].reshape(NC * NS, NCH_T, ECH)
    zero = jnp.zeros((NP, 128), jnp.float32)

    w1l = _pad2(conv1_wl.T, 128, 16)
    b1l = _pad2(conv1_bl[None, :], 1, 16)
    w1r = _pad2(conv1_wr.T, 128, 16)
    w1rh = _pad2(conv1_wr.T, 16, 16)
    w2l = _pad2(conv2_wl.T, 16, 16)
    b2l = _pad2(conv2_bl[None, :], 1, 16)
    w2r = _pad2(conv2_wr.T, 16, 16)
    lin = _pad2(lin_w.T, 16, 8)
    linb = jnp.full((1, 8), -1e30, jnp.float32).at[0, :3].set(lin_b)

    agg = _sc_seg(x0p, srcp, dstp, zero)

    full = lambda shape: pl.BlockSpec(shape, lambda i: (0,) * len(shape))
    out = pl.pallas_call(
        _main_kernel,
        grid=(B // R,),
        in_specs=[
            pl.BlockSpec((R, 300), lambda i: (i, 0)),
            full((300, 300)), full((300, 100)), full((1, 100)),
            full((100, 16)), full((1, 16)), full((16, NP)),
            full((NC, NP, 128)), full((NP, 128)),
            full((128, 16)), full((128, 16)), full((16, 16)), full((1, 16)),
            full((16, 16)),
            full((1, 16)), full((16, 16)), full((16, 8)), full((1, 8)),
        ],
        out_specs=pl.BlockSpec((R, 8), lambda i: (i, 0)),
        out_shape=jax.ShapeDtypeStruct((B, 8), jnp.float32),
    )(x2, w1, w2, b2, w3, b3, x0t, agg, x0p,
      w1l, w1r, w1rh, b1l, w2l, b2l, w2r, lin, linb)

    return out[:, :3]

# --- scband reference (transcript-rebuilt; emitter-appended) ---
"""Pipeline reference for scband-gnntest-82480551952450 (READ-ONLY COPY).

The authoritative reference and input builder live on the scoring server;
editing this copy changes nothing except your own understanding.
"""

import jax, jax.numpy as jnp
import numpy as np

B = 4096
N0 = 3190
E0 = 51040


def sage_conv(x, edge_index, w_l, b_l, w_r, num_nodes):
    src = edge_index[0]
    dst = edge_index[1]
    msg = jnp.take(x, src, axis=0)
    agg = jax.ops.segment_sum(msg, dst, num_segments=num_nodes)
    cnt = jax.ops.segment_sum(jnp.ones(dst.shape[0], dtype=x.dtype), dst, num_segments=num_nodes)
    mean = agg / jnp.clip(cnt, 1.0)[:, None]
    return mean @ w_l.T + b_l + x @ w_r.T


def encode(x, emb_table, fc_w, fc_b, fc2_w, fc2_b):
    h = jnp.transpose(x, (1, 0, 2))
    h = (h[:, :, :, None] * emb_table[None, None, :, :]).sum(axis=2)
    h = jax.nn.relu(h)
    h = jnp.transpose(h, (0, 2, 1))
    h = h @ fc_w.T + fc_b
    h = jax.nn.relu(h)
    h = jnp.transpose(h, (0, 2, 1))
    h = h.reshape(h.shape[0], -1)
    h = h @ fc2_w.T + fc2_b
    return jax.nn.relu(h)


def build_edges(h, x0, edge_0):
    a = h @ x0.T
    norm = jnp.linalg.norm(h, ord=2, axis=1).reshape(-1, 1)
    norm0 = jnp.linalg.norm(x0, ord=2, axis=1).reshape(1, -1)
    a = a / norm / norm0
    top6_val, top6_idx = jax.lax.top_k(a, 6)
    temp = jnp.where(top6_val[:, 0] == 1.0, jnp.ones(a.shape[0], dtype=a.dtype), jnp.zeros(a.shape[0], dtype=a.dtype))
    top5 = jnp.where((temp > 0)[:, None], top6_idx[:, 1:], top6_idx[:, :-1])
    k = top5.shape[1]
    rows = jnp.repeat(jnp.arange(top5.shape[0]), k)
    cols = jnp.sort(top5, axis=1).reshape(-1)
    new_edges = jnp.stack([cols, rows + x0.shape[0]]).astype(edge_0.dtype)
    return jnp.concatenate([edge_0, new_edges], axis=1)


def setup_inputs(seed: int = 0):
    key = jax.random.key(seed)
    ks = jax.random.split(key, 16)
    return {
        "x": jax.random.normal(ks[0], (60, B, 5), dtype=jnp.float32),
        "emb_table": jax.random.normal(ks[1], (5, 5), dtype=jnp.float32),
        "fc_w": jax.random.normal(ks[2], (20, 60), dtype=jnp.float32) * 0.1,
        "fc_b": jax.random.normal(ks[3], (20,), dtype=jnp.float32) * 0.1,
        "fc2_w": jax.random.normal(ks[4], (10, 100), dtype=jnp.float32) * 0.1,
        "fc2_b": jnp.abs(jax.random.normal(ks[5], (10,), dtype=jnp.float32)) * 0.1 + 0.5,
        "conv1_wl": jax.random.normal(ks[6], (15, 10), dtype=jnp.float32) * 0.3,
        "conv1_bl": jax.random.normal(ks[7], (15,), dtype=jnp.float32) * 0.1,
        "conv1_wr": jax.random.normal(ks[8], (15, 10), dtype=jnp.float32) * 0.3,
        "conv2_wl": jax.random.normal(ks[9], (10, 15), dtype=jnp.float32) * 0.3,
        "conv2_bl": jax.random.normal(ks[10], (10,), dtype=jnp.float32) * 0.1,
        "conv2_wr": jax.random.normal(ks[11], (10, 15), dtype=jnp.float32) * 0.3,
        "lin_w": jax.random.normal(ks[12], (3, 10), dtype=jnp.float32) * 0.3,
        "lin_b": jax.random.normal(ks[13], (3,), dtype=jnp.float32) * 0.1,
        "x0": jax.random.uniform(ks[14], (N0, 10), dtype=jnp.float32),
        "edge_0": jax.random.randint(ks[15], (2, E0), 0, N0, dtype=jnp.int32),
    }


def reference(x, emb_table, fc_w, fc_b, fc2_w, fc2_b, conv1_wl, conv1_bl, conv1_wr, conv2_wl, conv2_bl, conv2_wr, lin_w, lin_b, x0, edge_0):
    h = encode(x, emb_table, fc_w, fc_b, fc2_w, fc2_b)
    all_edges = build_edges(h, x0, edge_0)
    xcat = jnp.concatenate([x0, h], axis=0)
    n = xcat.shape[0]
    out = sage_conv(xcat, edge_0, conv1_wl, conv1_bl, conv1_wr, n)
    out = jax.nn.relu(out)
    # dropout with training=False -> identity
    out = sage_conv(out, all_edges, conv2_wl, conv2_bl, conv2_wr, n)
    out = out @ lin_w.T + lin_b
    out = jax.nn.softmax(out, axis=1)
    return out[x0.shape[0]:]

if __name__ == "__main__":
    import jax
    _d = setup_inputs()
    print(jax.jit(kernel)(*tuple(_d.values())))

</pallas_src>

<mosaic_0001>
#map = affine_map<(d0, d1) -> (0, 0)>
#map1 = affine_map<(d0, d1) -> (0, 0, 0)>
module attributes {stable_mosaic.version = 14 : i64} {
  func.func @_sc_seg_kernel(%arg0: i32, %arg1: i32, %arg2: memref<3328x128xf32, #tpu.memory_space<hbm>>, %arg3: memref<32x13x128xi32, #tpu.memory_space<hbm>>, %arg4: memref<32x13x128xi32, #tpu.memory_space<hbm>>, %arg5: memref<3328x128xf32, #tpu.memory_space<hbm>>, %arg6: memref<2x3328x128xf32, #tpu.memory_space<hbm>>, %arg7: memref<13x128xi32, #tpu.memory_space<vmem>>, %arg8: memref<13x128xi32, #tpu.memory_space<vmem>>, %arg9: memref<128x128xf32, #tpu.memory_space<vmem>>, %arg10: memref<3328x128xf32, #tpu.memory_space<vmem_shared>>, %arg11: memref<!tpu.dma_semaphore, #tpu.memory_space<semaphore_mem>>) attributes {dimension_semantics = [#tpu.dimension_semantics<core_parallel>, #tpu.dimension_semantics<subcore_parallel>], iteration_bounds = array<i64: 2, 16>, scalar_prefetch = 0 : i64, scratch_operands = 5 : i64, tpu.core_type = #tpu.core_type<sc_vector_subcore>, window_params = [{transform_indices = #map}, {transform_indices = #map1}, {transform_indices = #map1}, {transform_indices = #map}, {transform_indices = #map1}]} {
    %mul3A = arith.constant 2 : i32
    %mul3A_0 = arith.muli %arg1, %mul3A : i32
    %add3A = arith.addi %mul3A_0, %arg0 : i32
    %eq3A = arith.constant 0 : i32
    %eq3A_1 = arith.cmpi eq, %arg1, %eq3A : i32
    %convert_element_type3A = arith.extui %eq3A_1 : i1 to i32
    %cond3A = arith.constant 0 : i32
    %cond3A_2 = arith.cmpi ne, %convert_element_type3A, %cond3A : i32
    scf.if %cond3A_2 {
      "tpu.region"() ({
        %run_scoped3A_201 = tpu.sem_alloc : memref<!tpu.dma_semaphore, #tpu.memory_space<semaphore_mem>>
        tpu.enqueue_dma source(%arg5 : memref<3328x128xf32, #tpu.memory_space<hbm>>) target(%arg10 : memref<3328x128xf32, #tpu.memory_space<vmem_shared>>) target_semaphore(%run_scoped3A_201 : memref<!tpu.dma_semaphore, #tpu.memory_space<semaphore_mem>>)
        tpu.wait_dma2 semaphore(%run_scoped3A_201 : memref<!tpu.dma_semaphore, #tpu.memory_space<semaphore_mem>>) src(%arg5 : memref<3328x128xf32, #tpu.memory_space<hbm>>) dst(%arg10 : memref<3328x128xf32, #tpu.memory_space<vmem_shared>>)
        tpu.yield
      }) : () -> ()
    } else {
    }
    %barrier3A = arith.constant 0 : index
    tpu.barrier barrier_id(%barrier3A)
    "tpu.region"() ({
      %run_scoped3A_201 = tpu.sem_alloc : memref<!tpu.dma_semaphore, #tpu.memory_space<semaphore_mem>>
      %dma_start3A_202 = arith.constant 0 : i32
      %dma_start3A_203 = arith.constant 0 : i32
      %dma_start3A_204 = tpu.memref_slice %arg3[%add3A, %dma_start3A_202, %dma_start3A_203] : memref<32x13x128xi32, #tpu.memory_space<hbm>> -> memref<1x13x128xi32, #tpu.memory_space<hbm>>
      %dma_start3A_205 = tpu.memref_squeeze %dma_start3A_204 : memref<1x13x128xi32, #tpu.memory_space<hbm>> -> memref<13x128xi32, #tpu.memory_space<hbm>>
      %dma_start3A_206 = arith.constant 0 : i32
      %dma_start3A_207 = arith.constant 0 : i32
      %dma_start3A_208 = tpu.memref_slice %arg3[%add3A, %dma_start3A_206, %dma_start3A_207] : memref<32x13x128xi32, #tpu.memory_space<hbm>> -> memref<1x13x128xi32, #tpu.memory_space<hbm>>
      %dma_start3A_209 = tpu.memref_squeeze %dma_start3A_208 : memref<1x13x128xi32, #tpu.memory_space<hbm>> -> memref<13x128xi32, #tpu.memory_space<hbm>>
      tpu.enqueue_dma source(%dma_start3A_209 : memref<13x128xi32, #tpu.memory_space<hbm>>) target(%arg7 : memref<13x128xi32, #tpu.memory_space<vmem>>) target_semaphore(%run_scoped3A_201 : memref<!tpu.dma_semaphore, #tpu.memory_space<semaphore_mem>>)
      %dma_wait3A_210 = arith.constant 0 : i32
      %dma_wait3A_211 = arith.constant 0 : i32
      %dma_wait3A_212 = tpu.memref_slice %arg3[%add3A, %dma_wait3A_210, %dma_wait3A_211] : memref<32x13x128xi32, #tpu.memory_space<hbm>> -> memref<1x13x128xi32, #tpu.memory_space<hbm>>
      %dma_wait3A_213 = tpu.memref_squeeze %dma_wait3A_212 : memref<1x13x128xi32, #tpu.memory_space<hbm>> -> memref<13x128xi32, #tpu.memory_space<hbm>>
      %dma_wait3A_214 = arith.constant 0 : i32
      %dma_wait3A_215 = arith.constant 0 : i32
      %dma_wait3A_216 = tpu.memref_slice %arg3[%add3A, %dma_wait3A_214, %dma_wait3A_215] : memref<32x13x128xi32, #tpu.memory_space<hbm>> -> memref<1x13x128xi32, #tpu.memory_space<hbm>>
      %dma_wait3A_217 = tpu.memref_squeeze %dma_wait3A_216 : memref<1x13x128xi32, #tpu.memory_space<hbm>> -> memref<13x128xi32, #tpu.memory_space<hbm>>
      tpu.wait_dma2 semaphore(%run_scoped3A_201 : memref<!tpu.dma_semaphore, #tpu.memory_space<semaphore_mem>>) src(%dma_wait3A_217 : memref<13x128xi32, #tpu.memory_space<hbm>>) dst(%arg7 : memref<13x128xi32, #tpu.memory_space<vmem>>)
      tpu.yield
    }) : () -> ()
    "tpu.region"() ({
      %run_scoped3A_201 = tpu.sem_alloc : memref<!tpu.dma_semaphore, #tpu.memory_space<semaphore_mem>>
      %dma_start3A_202 = arith.constant 0 : i32
      %dma_start3A_203 = arith.constant 0 : i32
      %dma_start3A_204 = tpu.memref_slice %arg4[%add3A, %dma_start3A_202, %dma_start3A_203] : memref<32x13x128xi32, #tpu.memory_space<hbm>> -> memref<1x13x128xi32, #tpu.memory_space<hbm>>
      %dma_start3A_205 = tpu.memref_squeeze %dma_start3A_204 : memref<1x13x128xi32, #tpu.memory_space<hbm>> -> memref<13x128xi32, #tpu.memory_space<hbm>>
      %dma_start3A_206 = arith.constant 0 : i32
      %dma_start3A_207 = arith.constant 0 : i32
      %dma_start3A_208 = tpu.memref_slice %arg4[%add3A, %dma_start3A_206, %dma_start3A_207] : memref<32x13x128xi32, #tpu.memory_space<hbm>> -> memref<1x13x128xi32, #tpu.memory_space<hbm>>
      %dma_start3A_209 = tpu.memref_squeeze %dma_start3A_208 : memref<1x13x128xi32, #tpu.memory_space<hbm>> -> memref<13x128xi32, #tpu.memory_space<hbm>>
      tpu.enqueue_dma source(%dma_start3A_209 : memref<13x128xi32, #tpu.memory_space<hbm>>) target(%arg8 : memref<13x128xi32, #tpu.memory_space<vmem>>) target_semaphore(%run_scoped3A_201 : memref<!tpu.dma_semaphore, #tpu.memory_space<semaphore_mem>>)
      %dma_wait3A_210 = arith.constant 0 : i32
      %dma_wait3A_211 = arith.constant 0 : i32
      %dma_wait3A_212 = tpu.memref_slice %arg4[%add3A, %dma_wait3A_210, %dma_wait3A_211] : memref<32x13x128xi32, #tpu.memory_space<hbm>> -> memref<1x13x128xi32, #tpu.memory_space<hbm>>
      %dma_wait3A_213 = tpu.memref_squeeze %dma_wait3A_212 : memref<1x13x128xi32, #tpu.memory_space<hbm>> -> memref<13x128xi32, #tpu.memory_space<hbm>>
      %dma_wait3A_214 = arith.constant 0 : i32
      %dma_wait3A_215 = arith.constant 0 : i32
      %dma_wait3A_216 = tpu.memref_slice %arg4[%add3A, %dma_wait3A_214, %dma_wait3A_215] : memref<32x13x128xi32, #tpu.memory_space<hbm>> -> memref<1x13x128xi32, #tpu.memory_space<hbm>>
      %dma_wait3A_217 = tpu.memref_squeeze %dma_wait3A_216 : memref<1x13x128xi32, #tpu.memory_space<hbm>> -> memref<13x128xi32, #tpu.memory_space<hbm>>
      tpu.wait_dma2 semaphore(%run_scoped3A_201 : memref<!tpu.dma_semaphore, #tpu.memory_space<semaphore_mem>>) src(%dma_wait3A_217 : memref<13x128xi32, #tpu.memory_space<hbm>>) dst(%arg8 : memref<13x128xi32, #tpu.memory_space<vmem>>)
      tpu.yield
    }) : () -> ()
    %dma_start3A = arith.constant 0 : i32
    %dma_start3A_3 = arith.constant 0 : i32
    %dma_start3A_4 = tpu.memref_slice %arg7[%dma_start3A, %dma_start3A_3] : memref<13x128xi32, #tpu.memory_space<vmem>> -> memref<1x128xi32, #tpu.memory_space<vmem>>
    %dma_start3A_5 = tpu.memref_squeeze %dma_start3A_4 : memref<1x128xi32, #tpu.memory_space<vmem>> -> memref<128xi32, #tpu.memory_space<vmem>>
    %dma_start3A_6 = arith.constant 0 : i32
    %dma_start3A_7 = arith.constant 0 : i32
    %dma_start3A_8 = tpu.memref_slice %arg2[%dma_start3A_6, %dma_start3A_7] : memref<3328x128xf32, #tpu.memory_space<hbm>> -> memref<3328x128xf32, #tpu.memory_space<hbm>>
    tpu.enqueue_indirect_dma source(%dma_start3A_8 : memref<3328x128xf32, #tpu.memory_space<hbm>>) target(%arg9 : memref<128x128xf32, #tpu.memory_space<vmem>>) offsets(%dma_start3A_5 : memref<128xi32, #tpu.memory_space<vmem>>) semaphore(%arg11 : memref<!tpu.dma_semaphore, #tpu.memory_space<semaphore_mem>>)
    %dma_wait3A = arith.constant 0 : i32
    %dma_wait3A_9 = arith.constant 0 : i32
    %dma_wait3A_10 = tpu.memref_slice %arg7[%dma_wait3A, %dma_wait3A_9] : memref<13x128xi32, #tpu.memory_space<vmem>> -> memref<1x128xi32, #tpu.memory_space<vmem>>
    %dma_wait3A_11 = tpu.memref_squeeze %dma_wait3A_10 : memref<1x128xi32, #tpu.memory_space<vmem>> -> memref<128xi32, #tpu.memory_space<vmem>>
    %dma_wait3A_12 = arith.constant 0 : i32
    %dma_wait3A_13 = arith.constant 0 : i32
    %dma_wait3A_14 = tpu.memref_slice %arg2[%dma_wait3A_12, %dma_wait3A_13] : memref<3328x128xf32, #tpu.memory_space<hbm>> -> memref<3328x128xf32, #tpu.memory_space<hbm>>
    tpu.wait_indirect_dma semaphore(%arg11 : memref<!tpu.dma_semaphore, #tpu.memory_space<semaphore_mem>>) src(%dma_wait3A_14 : memref<3328x128xf32, #tpu.memory_space<hbm>>) dst(%arg9 : memref<128x128xf32, #tpu.memory_space<vmem>>)
    %run_scoped3A = arith.constant 0 : i32
    "tpu.region"() ({
      %run_scoped3A_201 = tpu.sem_alloc : memref<!tpu.dma_semaphore, #tpu.memory_space<semaphore_mem>>
      %dma_start3A_202 = arith.constant 0 : i32
      %dma_start3A_203 = tpu.memref_slice %arg8[%run_scoped3A, %dma_start3A_202] : memref<13x128xi32, #tpu.memory_space<vmem>> -> memref<1x128xi32, #tpu.memory_space<vmem>>
      %dma_start3A_204 = tpu.memref_squeeze %dma_start3A_203 : memref<1x128xi32, #tpu.memory_space<vmem>> -> memref<128xi32, #tpu.memory_space<vmem>>
      %dma_start3A_205 = arith.constant 0 : i32
      %dma_start3A_206 = arith.constant 0 : i32
      %dma_start3A_207 = tpu.memref_slice %arg10[%dma_start3A_205, %dma_start3A_206] : memref<3328x128xf32, #tpu.memory_space<vmem_shared>> -> memref<3328x128xf32, #tpu.memory_space<vmem_shared>>
      tpu.enqueue_indirect_dma source(%arg9 : memref<128x128xf32, #tpu.memory_space<vmem>>) target(%dma_start3A_207 : memref<3328x128xf32, #tpu.memory_space<vmem_shared>>) offsets(%dma_start3A_204 : memref<128xi32, #tpu.memory_space<vmem>>) semaphore(%run_scoped3A_201 : memref<!tpu.dma_semaphore, #tpu.memory_space<semaphore_mem>>) {add = true}
      %dma_wait3A_208 = arith.constant 0 : i32
      %dma_wait3A_209 = tpu.memref_slice %arg8[%run_scoped3A, %dma_wait3A_208] : memref<13x128xi32, #tpu.memory_space<vmem>> -> memref<1x128xi32, #tpu.memory_space<vmem>>
      %dma_wait3A_210 = tpu.memref_squeeze %dma_wait3A_209 : memref<1x128xi32, #tpu.memory_space<vmem>> -> memref<128xi32, #tpu.memory_space<vmem>>
      %dma_wait3A_211 = arith.constant 0 : i32
      %dma_wait3A_212 = arith.constant 0 : i32
      %dma_wait3A_213 = tpu.memref_slice %arg10[%dma_wait3A_211, %dma_wait3A_212] : memref<3328x128xf32, #tpu.memory_space<vmem_shared>> -> memref<3328x128xf32, #tpu.memory_space<vmem_shared>>
      tpu.wait_indirect_dma semaphore(%run_scoped3A_201 : memref<!tpu.dma_semaphore, #tpu.memory_space<semaphore_mem>>) src(%arg9 : memref<128x128xf32, #tpu.memory_space<vmem>>) dst(%dma_wait3A_213 : memref<3328x128xf32, #tpu.memory_space<vmem_shared>>)
      tpu.yield
    }) : () -> ()
    %dma_start3A_15 = arith.constant 1 : i32
    %dma_start3A_16 = arith.constant 0 : i32
    %dma_start3A_17 = tpu.memref_slice %arg7[%dma_start3A_15, %dma_start3A_16] : memref<13x128xi32, #tpu.memory_space<vmem>> -> memref<1x128xi32, #tpu.memory_space<vmem>>
    %dma_start3A_18 = tpu.memref_squeeze %dma_start3A_17 : memref<1x128xi32, #tpu.memory_space<vmem>> -> memref<128xi32, #tpu.memory_space<vmem>>
    %dma_start3A_19 = arith.constant 0 : i32
    %dma_start3A_20 = arith.constant 0 : i32
    %dma_start3A_21 = tpu.memref_slice %arg2[%dma_start3A_19, %dma_start3A_20] : memref<3328x128xf32, #tpu.memory_space<hbm>> -> memref<3328x128xf32, #tpu.memory_space<hbm>>
    tpu.enqueue_indirect_dma source(%dma_start3A_21 : memref<3328x128xf32, #tpu.memory_space<hbm>>) target(%arg9 : memref<128x128xf32, #tpu.memory_space<vmem>>) offsets(%dma_start3A_18 : memref<128xi32, #tpu.memory_space<vmem>>) semaphore(%arg11 : memref<!tpu.dma_semaphore, #tpu.memory_space<semaphore_mem>>)
    %dma_wait3A_22 = arith.constant 1 : i32
    %dma_wait3A_23 = arith.constant 0 : i32
    %dma_wait3A_24 = tpu.memref_slice %arg7[%dma_wait3A_22, %dma_wait3A_23] : memref<13x128xi32, #tpu.memory_space<vmem>> -> memref<1x128xi32, #tpu.memory_space<vmem>>
    %dma_wait3A_25 = tpu.memref_squeeze %dma_wait3A_24 : memref<1x128xi32, #tpu.memory_space<vmem>> -> memref<128xi32, #tpu.memory_space<vmem>>
    %dma_wait3A_26 = arith.constant 0 : i32
    %dma_wait3A_27 = arith.constant 0 : i32
    %dma_wait3A_28 = tpu.memref_slice %arg2[%dma_wait3A_26, %dma_wait3A_27] : memref<3328x128xf32, #tpu.memory_space<hbm>> -> memref<3328x128xf32, #tpu.memory_space<hbm>>
    tpu.wait_indirect_dma semaphore(%arg11 : memref<!tpu.dma_semaphore, #tpu.memory_space<semaphore_mem>>) src(%dma_wait3A_28 : memref<3328x128xf32, #tpu.memory_space<hbm>>) dst(%arg9 : memref<128x128xf32, #tpu.memory_space<vmem>>)
    %run_scoped3A_29 = arith.constant 1 : i32
    "tpu.region"() ({
      %run_scoped3A_201 = tpu.sem_alloc : memref<!tpu.dma_semaphore, #tpu.memory_space<semaphore_mem>>
      %dma_start3A_202 = arith.constant 0 : i32
      %dma_start3A_203 = tpu.memref_slice %arg8[%run_scoped3A_29, %dma_start3A_202] : memref<13x128xi32, #tpu.memory_space<vmem>> -> memref<1x128xi32, #tpu.memory_space<vmem>>
      %dma_start3A_204 = tpu.memref_squeeze %dma_start3A_203 : memref<1x128xi32, #tpu.memory_space<vmem>> -> memref<128xi32, #tpu.memory_space<vmem>>
      %dma_start3A_205 = arith.constant 0 : i32
      %dma_start3A_206 = arith.constant 0 : i32
      %dma_start3A_207 = tpu.memref_slice %arg10[%dma_start3A_205, %dma_start3A_206] : memref<3328x128xf32, #tpu.memory_space<vmem_shared>> -> memref<3328x128xf32, #tpu.memory_space<vmem_shared>>
      tpu.enqueue_indirect_dma source(%arg9 : memref<128x128xf32, #tpu.memory_space<vmem>>) target(%dma_start3A_207 : memref<3328x128xf32, #tpu.memory_space<vmem_shared>>) offsets(%dma_start3A_204 : memref<128xi32, #tpu.memory_space<vmem>>) semaphore(%run_scoped3A_201 : memref<!tpu.dma_semaphore, #tpu.memory_space<semaphore_mem>>) {add = true}
      %dma_wait3A_208 = arith.constant 0 : i32
      %dma_wait3A_209 = tpu.memref_slice %arg8[%run_scoped3A_29, %dma_wait3A_208] : memref<13x128xi32, #tpu.memory_space<vmem>> -> memref<1x128xi32, #tpu.memory_space<vmem>>
      %dma_wait3A_210 = tpu.memref_squeeze %dma_wait3A_209 : memref<1x128xi32, #tpu.memory_space<vmem>> -> memref<128xi32, #tpu.memory_space<vmem>>
      %dma_wait3A_211 = arith.constant 0 : i32
      %dma_wait3A_212 = arith.constant 0 : i32
      %dma_wait3A_213 = tpu.memref_slice %arg10[%dma_wait3A_211, %dma_wait3A_212] : memref<3328x128xf32, #tpu.memory_space<vmem_shared>> -> memref<3328x128xf32, #tpu.memory_space<vmem_shared>>
      tpu.wait_indirect_dma semaphore(%run_scoped3A_201 : memref<!tpu.dma_semaphore, #tpu.memory_space<semaphore_mem>>) src(%arg9 : memref<128x128xf32, #tpu.memory_space<vmem>>) dst(%dma_wait3A_213 : memref<3328x128xf32, #tpu.memory_space<vmem_shared>>)
      tpu.yield
    }) : () -> ()
    %dma_start3A_30 = arith.constant 2 : i32
    %dma_start3A_31 = arith.constant 0 : i32
    %dma_start3A_32 = tpu.memref_slice %arg7[%dma_start3A_30, %dma_start3A_31] : memref<13x128xi32, #tpu.memory_space<vmem>> -> memref<1x128xi32, #tpu.memory_space<vmem>>
    %dma_start3A_33 = tpu.memref_squeeze %dma_start3A_32 : memref<1x128xi32, #tpu.memory_space<vmem>> -> memref<128xi32, #tpu.memory_space<vmem>>
    %dma_start3A_34 = arith.constant 0 : i32
    %dma_start3A_35 = arith.constant 0 : i32
    %dma_start3A_36 = tpu.memref_slice %arg2[%dma_start3A_34, %dma_start3A_35] : memref<3328x128xf32, #tpu.memory_space<hbm>> -> memref<3328x128xf32, #tpu.memory_space<hbm>>
    tpu.enqueue_indirect_dma source(%dma_start3A_36 : memref<3328x128xf32, #tpu.memory_space<hbm>>) target(%arg9 : memref<128x128xf32, #tpu.memory_space<vmem>>) offsets(%dma_start3A_33 : memref<128xi32, #tpu.memory_space<vmem>>) semaphore(%arg11 : memref<!tpu.dma_semaphore, #tpu.memory_space<semaphore_mem>>)
    %dma_wait3A_37 = arith.constant 2 : i32
    %dma_wait3A_38 = arith.constant 0 : i32
    %dma_wait3A_39 = tpu.memref_slice %arg7[%dma_wait3A_37, %dma_wait3A_38] : memref<13x128xi32, #tpu.memory_space<vmem>> -> memref<1x128xi32, #tpu.memory_space<vmem>>
    %dma_wait3A_40 = tpu.memref_squeeze %dma_wait3A_39 : memref<1x128xi32, #tpu.memory_space<vmem>> -> memref<128xi32, #tpu.memory_space<vmem>>
    %dma_wait3A_41 = arith.constant 0 : i32
    %dma_wait3A_42 = arith.constant 0 : i32
    %dma_wait3A_43 = tpu.memref_slice %arg2[%dma_wait3A_41, %dma_wait3A_42] : memref<3328x128xf32, #tpu.memory_space<hbm>> -> memref<3328x128xf32, #tpu.memory_space<hbm>>
    tpu.wait_indirect_dma semaphore(%arg11 : memref<!tpu.dma_semaphore, #tpu.memory_space<semaphore_mem>>) src(%dma_wait3A_43 : memref<3328x128xf32, #tpu.memory_space<hbm>>) dst(%arg9 : memref<128x128xf32, #tpu.memory_space<vmem>>)
    %run_scoped3A_44 = arith.constant 2 : i32
    "tpu.region"() ({
      %run_scoped3A_201 = tpu.sem_alloc : memref<!tpu.dma_semaphore, #tpu.memory_space<semaphore_mem>>
      %dma_start3A_202 = arith.constant 0 : i32
      %dma_start3A_203 = tpu.memref_slice %arg8[%run_scoped3A_44, %dma_start3A_202] : memref<13x128xi32, #tpu.memory_space<vmem>> -> memref<1x128xi32, #tpu.memory_space<vmem>>
      %dma_start3A_204 = tpu.memref_squeeze %dma_start3A_203 : memref<1x128xi32, #tpu.memory_space<vmem>> -> memref<128xi32, #tpu.memory_space<vmem>>
      %dma_start3A_205 = arith.constant 0 : i32
      %dma_start3A_206 = arith.constant 0 : i32
      %dma_start3A_207 = tpu.memref_slice %arg10[%dma_start3A_205, %dma_start3A_206] : memref<3328x128xf32, #tpu.memory_space<vmem_shared>> -> memref<3328x128xf32, #tpu.memory_space<vmem_shared>>
      tpu.enqueue_indirect_dma source(%arg9 : memref<128x128xf32, #tpu.memory_space<vmem>>) target(%dma_start3A_207 : memref<3328x128xf32, #tpu.memory_space<vmem_shared>>) offsets(%dma_start3A_204 : memref<128xi32, #tpu.memory_space<vmem>>) semaphore(%run_scoped3A_201 : memref<!tpu.dma_semaphore, #tpu.memory_space<semaphore_mem>>) {add = true}
      %dma_wait3A_208 = arith.constant 0 : i32
      %dma_wait3A_209 = tpu.memref_slice %arg8[%run_scoped3A_44, %dma_wait3A_208] : memref<13x128xi32, #tpu.memory_space<vmem>> -> memref<1x128xi32, #tpu.memory_space<vmem>>
      %dma_wait3A_210 = tpu.memref_squeeze %dma_wait3A_209 : memref<1x128xi32, #tpu.memory_space<vmem>> -> memref<128xi32, #tpu.memory_space<vmem>>
      %dma_wait3A_211 = arith.constant 0 : i32
      %dma_wait3A_212 = arith.constant 0 : i32
      %dma_wait3A_213 = tpu.memref_slice %arg10[%dma_wait3A_211, %dma_wait3A_212] : memref<3328x128xf32, #tpu.memory_space<vmem_shared>> -> memref<3328x128xf32, #tpu.memory_space<vmem_shared>>
      tpu.wait_indirect_dma semaphore(%run_scoped3A_201 : memref<!tpu.dma_semaphore, #tpu.memory_space<semaphore_mem>>) src(%arg9 : memref<128x128xf32, #tpu.memory_space<vmem>>) dst(%dma_wait3A_213 : memref<3328x128xf32, #tpu.memory_space<vmem_shared>>)
      tpu.yield
    }) : () -> ()
    %dma_start3A_45 = arith.constant 3 : i32
    %dma_start3A_46 = arith.constant 0 : i32
    %dma_start3A_47 = tpu.memref_slice %arg7[%dma_start3A_45, %dma_start3A_46] : memref<13x128xi32, #tpu.memory_space<vmem>> -> memref<1x128xi32, #tpu.memory_space<vmem>>
    %dma_start3A_48 = tpu.memref_squeeze %dma_start3A_47 : memref<1x128xi32, #tpu.memory_space<vmem>> -> memref<128xi32, #tpu.memory_space<vmem>>
    %dma_start3A_49 = arith.constant 0 : i32
    %dma_start3A_50 = arith.constant 0 : i32
    %dma_start3A_51 = tpu.memref_slice %arg2[%dma_start3A_49, %dma_start3A_50] : memref<3328x128xf32, #tpu.memory_space<hbm>> -> memref<3328x128xf32, #tpu.memory_space<hbm>>
    tpu.enqueue_indirect_dma source(%dma_start3A_51 : memref<3328x128xf32, #tpu.memory_space<hbm>>) target(%arg9 : memref<128x128xf32, #tpu.memory_space<vmem>>) offsets(%dma_start3A_48 : memref<128xi32, #tpu.memory_space<vmem>>) semaphore(%arg11 : memref<!tpu.dma_semaphore, #tpu.memory_space<semaphore_mem>>)
    %dma_wait3A_52 = arith.constant 3 : i32
    %dma_wait3A_53 = arith.constant 0 : i32
    %dma_wait3A_54 = tpu.memref_slice %arg7[%dma_wait3A_52, %dma_wait3A_53] : memref<13x128xi32, #tpu.memory_space<vmem>> -> memref<1x128xi32, #tpu.memory_space<vmem>>
    %dma_wait3A_55 = tpu.memref_squeeze %dma_wait3A_54 : memref<1x128xi32, #tpu.memory_space<vmem>> -> memref<128xi32, #tpu.memory_space<vmem>>
    %dma_wait3A_56 = arith.constant 0 : i32
    %dma_wait3A_57 = arith.constant 0 : i32
    %dma_wait3A_58 = tpu.memref_slice %arg2[%dma_wait3A_56, %dma_wait3A_57] : memref<3328x128xf32, #tpu.memory_space<hbm>> -> memref<3328x128xf32, #tpu.memory_space<hbm>>
    tpu.wait_indirect_dma semaphore(%arg11 : memref<!tpu.dma_semaphore, #tpu.memory_space<semaphore_mem>>) src(%dma_wait3A_58 : memref<3328x128xf32, #tpu.memory_space<hbm>>) dst(%arg9 : memref<128x128xf32, #tpu.memory_space<vmem>>)
    %run_scoped3A_59 = arith.constant 3 : i32
    "tpu.region"() ({
      %run_scoped3A_201 = tpu.sem_alloc : memref<!tpu.dma_semaphore, #tpu.memory_space<semaphore_mem>>
      %dma_start3A_202 = arith.constant 0 : i32
      %dma_start3A_203 = tpu.memref_slice %arg8[%run_scoped3A_59, %dma_start3A_202] : memref<13x128xi32, #tpu.memory_space<vmem>> -> memref<1x128xi32, #tpu.memory_space<vmem>>
      %dma_start3A_204 = tpu.memref_squeeze %dma_start3A_203 : memref<1x128xi32, #tpu.memory_space<vmem>> -> memref<128xi32, #tpu.memory_space<vmem>>
      %dma_start3A_205 = arith.constant 0 : i32
      %dma_start3A_206 = arith.constant 0 : i32
      %dma_start3A_207 = tpu.memref_slice %arg10[%dma_start3A_205, %dma_start3A_206] : memref<3328x128xf32, #tpu.memory_space<vmem_shared>> -> memref<3328x128xf32, #tpu.memory_space<vmem_shared>>
      tpu.enqueue_indirect_dma source(%arg9 : memref<128x128xf32, #tpu.memory_space<vmem>>) target(%dma_start3A_207 : memref<3328x128xf32, #tpu.memory_space<vmem_shared>>) offsets(%dma_start3A_204 : memref<128xi32, #tpu.memory_space<vmem>>) semaphore(%run_scoped3A_201 : memref<!tpu.dma_semaphore, #tpu.memory_space<semaphore_mem>>) {add = true}
      %dma_wait3A_208 = arith.constant 0 : i32
      %dma_wait3A_209 = tpu.memref_slice %arg8[%run_scoped3A_59, %dma_wait3A_208] : memref<13x128xi32, #tpu.memory_space<vmem>> -> memref<1x128xi32, #tpu.memory_space<vmem>>
      %dma_wait3A_210 = tpu.memref_squeeze %dma_wait3A_209 : memref<1x128xi32, #tpu.memory_space<vmem>> -> memref<128xi32, #tpu.memory_space<vmem>>
      %dma_wait3A_211 = arith.constant 0 : i32
      %dma_wait3A_212 = arith.constant 0 : i32
      %dma_wait3A_213 = tpu.memref_slice %arg10[%dma_wait3A_211, %dma_wait3A_212] : memref<3328x128xf32, #tpu.memory_space<vmem_shared>> -> memref<3328x128xf32, #tpu.memory_space<vmem_shared>>
      tpu.wait_indirect_dma semaphore(%run_scoped3A_201 : memref<!tpu.dma_semaphore, #tpu.memory_space<semaphore_mem>>) src(%arg9 : memref<128x128xf32, #tpu.memory_space<vmem>>) dst(%dma_wait3A_213 : memref<3328x128xf32, #tpu.memory_space<vmem_shared>>)
      tpu.yield
    }) : () -> ()
    %dma_start3A_60 = arith.constant 4 : i32
    %dma_start3A_61 = arith.constant 0 : i32
    %dma_start3A_62 = tpu.memref_slice %arg7[%dma_start3A_60, %dma_start3A_61] : memref<13x128xi32, #tpu.memory_space<vmem>> -> memref<1x128xi32, #tpu.memory_space<vmem>>
    %dma_start3A_63 = tpu.memref_squeeze %dma_start3A_62 : memref<1x128xi32, #tpu.memory_space<vmem>> -> memref<128xi32, #tpu.memory_space<vmem>>
    %dma_start3A_64 = arith.constant 0 : i32
    %dma_start3A_65 = arith.constant 0 : i32
    %dma_start3A_66 = tpu.memref_slice %arg2[%dma_start3A_64, %dma_start3A_65] : memref<3328x128xf32, #tpu.memory_space<hbm>> -> memref<3328x128xf32, #tpu.memory_space<hbm>>
    tpu.enqueue_indirect_dma source(%dma_start3A_66 : memref<3328x128xf32, #tpu.memory_space<hbm>>) target(%arg9 : memref<128x128xf32, #tpu.memory_space<vmem>>) offsets(%dma_start3A_63 : memref<128xi32, #tpu.memory_space<vmem>>) semaphore(%arg11 : memref<!tpu.dma_semaphore, #tpu.memory_space<semaphore_mem>>)
    %dma_wait3A_67 = arith.constant 4 : i32
    %dma_wait3A_68 = arith.constant 0 : i32
    %dma_wait3A_69 = tpu.memref_slice %arg7[%dma_wait3A_67, %dma_wait3A_68] : memref<13x128xi32, #tpu.memory_space<vmem>> -> memref<1x128xi32, #tpu.memory_space<vmem>>
    %dma_wait3A_70 = tpu.memref_squeeze %dma_wait3A_69 : memref<1x128xi32, #tpu.memory_space<vmem>> -> memref<128xi32, #tpu.memory_space<vmem>>
    %dma_wait3A_71 = arith.constant 0 : i32
    %dma_wait3A_72 = arith.constant 0 : i32
    %dma_wait3A_73 = tpu.memref_slice %arg2[%dma_wait3A_71, %dma_wait3A_72] : memref<3328x128xf32, #tpu.memory_space<hbm>> -> memref<3328x128xf32, #tpu.memory_space<hbm>>
    tpu.wait_indirect_dma semaphore(%arg11 : memref<!tpu.dma_semaphore, #tpu.memory_space<semaphore_mem>>) src(%dma_wait3A_73 : memref<3328x128xf32, #tpu.memory_space<hbm>>) dst(%arg9 : memref<128x128xf32, #tpu.memory_space<vmem>>)
    %run_scoped3A_74 = arith.constant 4 : i32
    "tpu.region"() ({
      %run_scoped3A_201 = tpu.sem_alloc : memref<!tpu.dma_semaphore, #tpu.memory_space<semaphore_mem>>
      %dma_start3A_202 = arith.constant 0 : i32
      %dma_start3A_203 = tpu.memref_slice %arg8[%run_scoped3A_74, %dma_start3A_202] : memref<13x128xi32, #tpu.memory_space<vmem>> -> memref<1x128xi32, #tpu.memory_space<vmem>>
      %dma_start3A_204 = tpu.memref_squeeze %dma_start3A_203 : memref<1x128xi32, #tpu.memory_space<vmem>> -> memref<128xi32, #tpu.memory_space<vmem>>
      %dma_start3A_205 = arith.constant 0 : i32
      %dma_start3A_206 = arith.constant 0 : i32
      %dma_start3A_207 = tpu.memref_slice %arg10[%dma_start3A_205, %dma_start3A_206] : memref<3328x128xf32, #tpu.memory_space<vmem_shared>> -> memref<3328x128xf32, #tpu.memory_space<vmem_shared>>
      tpu.enqueue_indirect_dma source(%arg9 : memref<128x128xf32, #tpu.memory_space<vmem>>) target(%dma_start3A_207 : memref<3328x128xf32, #tpu.memory_space<vmem_shared>>) offsets(%dma_start3A_204 : memref<128xi32, #tpu.memory_space<vmem>>) semaphore(%run_scoped3A_201 : memref<!tpu.dma_semaphore, #tpu.memory_space<semaphore_mem>>) {add = true}
      %dma_wait3A_208 = arith.constant 0 : i32
      %dma_wait3A_209 = tpu.memref_slice %arg8[%run_scoped3A_74, %dma_wait3A_208] : memref<13x128xi32, #tpu.memory_space<vmem>> -> memref<1x128xi32, #tpu.memory_space<vmem>>
      %dma_wait3A_210 = tpu.memref_squeeze %dma_wait3A_209 : memref<1x128xi32, #tpu.memory_space<vmem>> -> memref<128xi32, #tpu.memory_space<vmem>>
      %dma_wait3A_211 = arith.constant 0 : i32
      %dma_wait3A_212 = arith.constant 0 : i32
      %dma_wait3A_213 = tpu.memref_slice %arg10[%dma_wait3A_211, %dma_wait3A_212] : memref<3328x128xf32, #tpu.memory_space<vmem_shared>> -> memref<3328x128xf32, #tpu.memory_space<vmem_shared>>
      tpu.wait_indirect_dma semaphore(%run_scoped3A_201 : memref<!tpu.dma_semaphore, #tpu.memory_space<semaphore_mem>>) src(%arg9 : memref<128x128xf32, #tpu.memory_space<vmem>>) dst(%dma_wait3A_213 : memref<3328x128xf32, #tpu.memory_space<vmem_shared>>)
      tpu.yield
    }) : () -> ()
    %dma_start3A_75 = arith.constant 5 : i32
    %dma_start3A_76 = arith.constant 0 : i32
    %dma_start3A_77 = tpu.memref_slice %arg7[%dma_start3A_75, %dma_start3A_76] : memref<13x128xi32, #tpu.memory_space<vmem>> -> memref<1x128xi32, #tpu.memory_space<vmem>>
    %dma_start3A_78 = tpu.memref_squeeze %dma_start3A_77 : memref<1x128xi32, #tpu.memory_space<vmem>> -> memref<128xi32, #tpu.memory_space<vmem>>
    %dma_start3A_79 = arith.constant 0 : i32
    %dma_start3A_80 = arith.constant 0 : i32
    %dma_start3A_81 = tpu.memref_slice %arg2[%dma_start3A_79, %dma_start3A_80] : memref<3328x128xf32, #tpu.memory_space<hbm>> -> memref<3328x128xf32, #tpu.memory_space<hbm>>
    tpu.enqueue_indirect_dma source(%dma_start3A_81 : memref<3328x128xf32, #tpu.memory_space<hbm>>) target(%arg9 : memref<128x128xf32, #tpu.memory_space<vmem>>) offsets(%dma_start3A_78 : memref<128xi32, #tpu.memory_space<vmem>>) semaphore(%arg11 : memref<!tpu.dma_semaphore, #tpu.memory_space<semaphore_mem>>)
    %dma_wait3A_82 = arith.constant 5 : i32
    %dma_wait3A_83 = arith.constant 0 : i32
    %dma_wait3A_84 = tpu.memref_slice %arg7[%dma_wait3A_82, %dma_wait3A_83] : memref<13x128xi32, #tpu.memory_space<vmem>> -> memref<1x128xi32, #tpu.memory_space<vmem>>
    %dma_wait3A_85 = tpu.memref_squeeze %dma_wait3A_84 : memref<1x128xi32, #tpu.memory_space<vmem>> -> memref<128xi32, #tpu.memory_space<vmem>>
    %dma_wait3A_86 = arith.constant 0 : i32
    %dma_wait3A_87 = arith.constant 0 : i32
    %dma_wait3A_88 = tpu.memref_slice %arg2[%dma_wait3A_86, %dma_wait3A_87] : memref<3328x128xf32, #tpu.memory_space<hbm>> -> memref<3328x128xf32, #tpu.memory_space<hbm>>
    tpu.wait_indirect_dma semaphore(%arg11 : memref<!tpu.dma_semaphore, #tpu.memory_space<semaphore_mem>>) src(%dma_wait3A_88 : memref<3328x128xf32, #tpu.memory_space<hbm>>) dst(%arg9 : memref<128x128xf32, #tpu.memory_space<vmem>>)
    %run_scoped3A_89 = arith.constant 5 : i32
    "tpu.region"() ({
      %run_scoped3A_201 = tpu.sem_alloc : memref<!tpu.dma_semaphore, #tpu.memory_space<semaphore_mem>>
      %dma_start3A_202 = arith.constant 0 : i32
      %dma_start3A_203 = tpu.memref_slice %arg8[%run_scoped3A_89, %dma_start3A_202] : memref<13x128xi32, #tpu.memory_space<vmem>> -> memref<1x128xi32, #tpu.memory_space<vmem>>
      %dma_start3A_204 = tpu.memref_squeeze %dma_start3A_203 : memref<1x128xi32, #tpu.memory_space<vmem>> -> memref<128xi32, #tpu.memory_space<vmem>>
      %dma_start3A_205 = arith.constant 0 : i32
      %dma_start3A_206 = arith.constant 0 : i32
      %dma_start3A_207 = tpu.memref_slice %arg10[%dma_start3A_205, %dma_start3A_206] : memref<3328x128xf32, #tpu.memory_space<vmem_shared>> -> memref<3328x128xf32, #tpu.memory_space<vmem_shared>>
      tpu.enqueue_indirect_dma source(%arg9 : memref<128x128xf32, #tpu.memory_space<vmem>>) target(%dma_start3A_207 : memref<3328x128xf32, #tpu.memory_space<vmem_shared>>) offsets(%dma_start3A_204 : memref<128xi32, #tpu.memory_space<vmem>>) semaphore(%run_scoped3A_201 : memref<!tpu.dma_semaphore, #tpu.memory_space<semaphore_mem>>) {add = true}
      %dma_wait3A_208 = arith.constant 0 : i32
      %dma_wait3A_209 = tpu.memref_slice %arg8[%run_scoped3A_89, %dma_wait3A_208] : memref<13x128xi32, #tpu.memory_space<vmem>> -> memref<1x128xi32, #tpu.memory_space<vmem>>
      %dma_wait3A_210 = tpu.memref_squeeze %dma_wait3A_209 : memref<1x128xi32, #tpu.memory_space<vmem>> -> memref<128xi32, #tpu.memory_space<vmem>>
      %dma_wait3A_211 = arith.constant 0 : i32
      %dma_wait3A_212 = arith.constant 0 : i32
      %dma_wait3A_213 = tpu.memref_slice %arg10[%dma_wait3A_211, %dma_wait3A_212] : memref<3328x128xf32, #tpu.memory_space<vmem_shared>> -> memref<3328x128xf32, #tpu.memory_space<vmem_shared>>
      tpu.wait_indirect_dma semaphore(%run_scoped3A_201 : memref<!tpu.dma_semaphore, #tpu.memory_space<semaphore_mem>>) src(%arg9 : memref<128x128xf32, #tpu.memory_space<vmem>>) dst(%dma_wait3A_213 : memref<3328x128xf32, #tpu.memory_space<vmem_shared>>)
      tpu.yield
    }) : () -> ()
    %dma_start3A_90 = arith.constant 6 : i32
    %dma_start3A_91 = arith.constant 0 : i32
    %dma_start3A_92 = tpu.memref_slice %arg7[%dma_start3A_90, %dma_start3A_91] : memref<13x128xi32, #tpu.memory_space<vmem>> -> memref<1x128xi32, #tpu.memory_space<vmem>>
    %dma_start3A_93 = tpu.memref_squeeze %dma_start3A_92 : memref<1x128xi32, #tpu.memory_space<vmem>> -> memref<128xi32, #tpu.memory_space<vmem>>
    %dma_start3A_94 = arith.constant 0 : i32
    %dma_start3A_95 = arith.constant 0 : i32
    %dma_start3A_96 = tpu.memref_slice %arg2[%dma_start3A_94, %dma_start3A_95] : memref<3328x128xf32, #tpu.memory_space<hbm>> -> memref<3328x128xf32, #tpu.memory_space<hbm>>
    tpu.enqueue_indirect_dma source(%dma_start3A_96 : memref<3328x128xf32, #tpu.memory_space<hbm>>) target(%arg9 : memref<128x128xf32, #tpu.memory_space<vmem>>) offsets(%dma_start3A_93 : memref<128xi32, #tpu.memory_space<vmem>>) semaphore(%arg11 : memref<!tpu.dma_semaphore, #tpu.memory_space<semaphore_mem>>)
    %dma_wait3A_97 = arith.constant 6 : i32
    %dma_wait3A_98 = arith.constant 0 : i32
    %dma_wait3A_99 = tpu.memref_slice %arg7[%dma_wait3A_97, %dma_wait3A_98] : memref<13x128xi32, #tpu.memory_space<vmem>> -> memref<1x128xi32, #tpu.memory_space<vmem>>
    %dma_wait3A_100 = tpu.memref_squeeze %dma_wait3A_99 : memref<1x128xi32, #tpu.memory_space<vmem>> -> memref<128xi32, #tpu.memory_space<vmem>>
    %dma_wait3A_101 = arith.constant 0 : i32
    %dma_wait3A_102 = arith.constant 0 : i32
    %dma_wait3A_103 = tpu.memref_slice %arg2[%dma_wait3A_101, %dma_wait3A_102] : memref<3328x128xf32, #tpu.memory_space<hbm>> -> memref<3328x128xf32, #tpu.memory_space<hbm>>
    tpu.wait_indirect_dma semaphore(%arg11 : memref<!tpu.dma_semaphore, #tpu.memory_space<semaphore_mem>>) src(%dma_wait3A_103 : memref<3328x128xf32, #tpu.memory_space<hbm>>) dst(%arg9 : memref<128x128xf32, #tpu.memory_space<vmem>>)
    %run_scoped3A_104 = arith.constant 6 : i32
    "tpu.region"() ({
      %run_scoped3A_201 = tpu.sem_alloc : memref<!tpu.dma_semaphore, #tpu.memory_space<semaphore_mem>>
      %dma_start3A_202 = arith.constant 0 : i32
      %dma_start3A_203 = tpu.memref_slice %arg8[%run_scoped3A_104, %dma_start3A_202] : memref<13x128xi32, #tpu.memory_space<vmem>> -> memref<1x128xi32, #tpu.memory_space<vmem>>
      %dma_start3A_204 = tpu.memref_squeeze %dma_start3A_203 : memref<1x128xi32, #tpu.memory_space<vmem>> -> memref<128xi32, #tpu.memory_space<vmem>>
      %dma_start3A_205 = arith.constant 0 : i32
      %dma_start3A_206 = arith.constant 0 : i32
      %dma_start3A_207 = tpu.memref_slice %arg10[%dma_start3A_205, %dma_start3A_206] : memref<3328x128xf32, #tpu.memory_space<vmem_shared>> -> memref<3328x128xf32, #tpu.memory_space<vmem_shared>>
      tpu.enqueue_indirect_dma source(%arg9 : memref<128x128xf32, #tpu.memory_space<vmem>>) target(%dma_start3A_207 : memref<3328x128xf32, #tpu.memory_space<vmem_shared>>) offsets(%dma_start3A_204 : memref<128xi32, #tpu.memory_space<vmem>>) semaphore(%run_scoped3A_201 : memref<!tpu.dma_semaphore, #tpu.memory_space<semaphore_mem>>) {add = true}
      %dma_wait3A_208 = arith.constant 0 : i32
      %dma_wait3A_209 = tpu.memref_slice %arg8[%run_scoped3A_104, %dma_wait3A_208] : memref<13x128xi32, #tpu.memory_space<vmem>> -> memref<1x128xi32, #tpu.memory_space<vmem>>
      %dma_wait3A_210 = tpu.memref_squeeze %dma_wait3A_209 : memref<1x128xi32, #tpu.memory_space<vmem>> -> memref<128xi32, #tpu.memory_space<vmem>>
      %dma_wait3A_211 = arith.constant 0 : i32
      %dma_wait3A_212 = arith.constant 0 : i32
      %dma_wait3A_213 = tpu.memref_slice %arg10[%dma_wait3A_211, %dma_wait3A_212] : memref<3328x128xf32, #tpu.memory_space<vmem_shared>> -> memref<3328x128xf32, #tpu.memory_space<vmem_shared>>
      tpu.wait_indirect_dma semaphore(%run_scoped3A_201 : memref<!tpu.dma_semaphore, #tpu.memory_space<semaphore_mem>>) src(%arg9 : memref<128x128xf32, #tpu.memory_space<vmem>>) dst(%dma_wait3A_213 : memref<3328x128xf32, #tpu.memory_space<vmem_shared>>)
      tpu.yield
    }) : () -> ()
    %dma_start3A_105 = arith.constant 7 : i32
    %dma_start3A_106 = arith.constant 0 : i32
    %dma_start3A_107 = tpu.memref_slice %arg7[%dma_start3A_105, %dma_start3A_106] : memref<13x128xi32, #tpu.memory_space<vmem>> -> memref<1x128xi32, #tpu.memory_space<vmem>>
    %dma_start3A_108 = tpu.memref_squeeze %dma_start3A_107 : memref<1x128xi32, #tpu.memory_space<vmem>> -> memref<128xi32, #tpu.memory_space<vmem>>
    %dma_start3A_109 = arith.constant 0 : i32
    %dma_start3A_110 = arith.constant 0 : i32
    %dma_start3A_111 = tpu.memref_slice %arg2[%dma_start3A_109, %dma_start3A_110] : memref<3328x128xf32, #tpu.memory_space<hbm>> -> memref<3328x128xf32, #tpu.memory_space<hbm>>
    tpu.enqueue_indirect_dma source(%dma_start3A_111 : memref<3328x128xf32, #tpu.memory_space<hbm>>) target(%arg9 : memref<128x128xf32, #tpu.memory_space<vmem>>) offsets(%dma_start3A_108 : memref<128xi32, #tpu.memory_space<vmem>>) semaphore(%arg11 : memref<!tpu.dma_semaphore, #tpu.memory_space<semaphore_mem>>)
    %dma_wait3A_112 = arith.constant 7 : i32
    %dma_wait3A_113 = arith.constant 0 : i32
    %dma_wait3A_114 = tpu.memref_slice %arg7[%dma_wait3A_112, %dma_wait3A_113] : memref<13x128xi32, #tpu.memory_space<vmem>> -> memref<1x128xi32, #tpu.memory_space<vmem>>
    %dma_wait3A_115 = tpu.memref_squeeze %dma_wait3A_114 : memref<1x128xi32, #tpu.memory_space<vmem>> -> memref<128xi32, #tpu.memory_space<vmem>>
    %dma_wait3A_116 = arith.constant 0 : i32
    %dma_wait3A_117 = arith.constant 0 : i32
    %dma_wait3A_118 = tpu.memref_slice %arg2[%dma_wait3A_116, %dma_wait3A_117] : memref<3328x128xf32, #tpu.memory_space<hbm>> -> memref<3328x128xf32, #tpu.memory_space<hbm>>
    tpu.wait_indirect_dma semaphore(%arg11 : memref<!tpu.dma_semaphore, #tpu.memory_space<semaphore_mem>>) src(%dma_wait3A_118 : memref<3328x128xf32, #tpu.memory_space<hbm>>) dst(%arg9 : memref<128x128xf32, #tpu.memory_space<vmem>>)
    %run_scoped3A_119 = arith.constant 7 : i32
    "tpu.region"() ({
      %run_scoped3A_201 = tpu.sem_alloc : memref<!tpu.dma_semaphore, #tpu.memory_space<semaphore_mem>>
      %dma_start3A_202 = arith.constant 0 : i32
      %dma_start3A_203 = tpu.memref_slice %arg8[%run_scoped3A_119, %dma_start3A_202] : memref<13x128xi32, #tpu.memory_space<vmem>> -> memref<1x128xi32, #tpu.memory_space<vmem>>
      %dma_start3A_204 = tpu.memref_squeeze %dma_start3A_203 : memref<1x128xi32, #tpu.memory_space<vmem>> -> memref<128xi32, #tpu.memory_space<vmem>>
      %dma_start3A_205 = arith.constant 0 : i32
      %dma_start3A_206 = arith.constant 0 : i32
      %dma_start3A_207 = tpu.memref_slice %arg10[%dma_start3A_205, %dma_start3A_206] : memref<3328x128xf32, #tpu.memory_space<vmem_shared>> -> memref<3328x128xf32, #tpu.memory_space<vmem_shared>>
      tpu.enqueue_indirect_dma source(%arg9 : memref<128x128xf32, #tpu.memory_space<vmem>>) target(%dma_start3A_207 : memref<3328x128xf32, #tpu.memory_space<vmem_shared>>) offsets(%dma_start3A_204 : memref<128xi32, #tpu.memory_space<vmem>>) semaphore(%run_scoped3A_201 : memref<!tpu.dma_semaphore, #tpu.memory_space<semaphore_mem>>) {add = true}
      %dma_wait3A_208 = arith.constant 0 : i32
      %dma_wait3A_209 = tpu.memref_slice %arg8[%run_scoped3A_119, %dma_wait3A_208] : memref<13x128xi32, #tpu.memory_space<vmem>> -> memref<1x128xi32, #tpu.memory_space<vmem>>
      %dma_wait3A_210 = tpu.memref_squeeze %dma_wait3A_209 : memref<1x128xi32, #tpu.memory_space<vmem>> -> memref<128xi32, #tpu.memory_space<vmem>>
      %dma_wait3A_211 = arith.constant 0 : i32
      %dma_wait3A_212 = arith.constant 0 : i32
      %dma_wait3A_213 = tpu.memref_slice %arg10[%dma_wait3A_211, %dma_wait3A_212] : memref<3328x128xf32, #tpu.memory_space<vmem_shared>> -> memref<3328x128xf32, #tpu.memory_space<vmem_shared>>
      tpu.wait_indirect_dma semaphore(%run_scoped3A_201 : memref<!tpu.dma_semaphore, #tpu.memory_space<semaphore_mem>>) src(%arg9 : memref<128x128xf32, #tpu.memory_space<vmem>>) dst(%dma_wait3A_213 : memref<3328x128xf32, #tpu.memory_space<vmem_shared>>)
      tpu.yield
    }) : () -> ()
    %dma_start3A_120 = arith.constant 8 : i32
    %dma_start3A_121 = arith.constant 0 : i32
    %dma_start3A_122 = tpu.memref_slice %arg7[%dma_start3A_120, %dma_start3A_121] : memref<13x128xi32, #tpu.memory_space<vmem>> -> memref<1x128xi32, #tpu.memory_space<vmem>>
    %dma_start3A_123 = tpu.memref_squeeze %dma_start3A_122 : memref<1x128xi32, #tpu.memory_space<vmem>> -> memref<128xi32, #tpu.memory_space<vmem>>
    %dma_start3A_124 = arith.constant 0 : i32
    %dma_start3A_125 = arith.constant 0 : i32
    %dma_start3A_126 = tpu.memref_slice %arg2[%dma_start3A_124, %dma_start3A_125] : memref<3328x128xf32, #tpu.memory_space<hbm>> -> memref<3328x128xf32, #tpu.memory_space<hbm>>
    tpu.enqueue_indirect_dma source(%dma_start3A_126 : memref<3328x128xf32, #tpu.memory_space<hbm>>) target(%arg9 : memref<128x128xf32, #tpu.memory_space<vmem>>) offsets(%dma_start3A_123 : memref<128xi32, #tpu.memory_space<vmem>>) semaphore(%arg11 : memref<!tpu.dma_semaphore, #tpu.memory_space<semaphore_mem>>)
    %dma_wait3A_127 = arith.constant 8 : i32
    %dma_wait3A_128 = arith.constant 0 : i32
    %dma_wait3A_129 = tpu.memref_slice %arg7[%dma_wait3A_127, %dma_wait3A_128] : memref<13x128xi32, #tpu.memory_space<vmem>> -> memref<1x128xi32, #tpu.memory_space<vmem>>
    %dma_wait3A_130 = tpu.memref_squeeze %dma_wait3A_129 : memref<1x128xi32, #tpu.memory_space<vmem>> -> memref<128xi32, #tpu.memory_space<vmem>>
    %dma_wait3A_131 = arith.constant 0 : i32
    %dma_wait3A_132 = arith.constant 0 : i32
    %dma_wait3A_133 = tpu.memref_slice %arg2[%dma_wait3A_131, %dma_wait3A_132] : memref<3328x128xf32, #tpu.memory_space<hbm>> -> memref<3328x128xf32, #tpu.memory_space<hbm>>
    tpu.wait_indirect_dma semaphore(%arg11 : memref<!tpu.dma_semaphore, #tpu.memory_space<semaphore_mem>>) src(%dma_wait3A_133 : memref<3328x128xf32, #tpu.memory_space<hbm>>) dst(%arg9 : memref<128x128xf32, #tpu.memory_space<vmem>>)
    %run_scoped3A_134 = arith.constant 8 : i32
    "tpu.region"() ({
      %run_scoped3A_201 = tpu.sem_alloc : memref<!tpu.dma_semaphore, #tpu.memory_space<semaphore_mem>>
      %dma_start3A_202 = arith.constant 0 : i32
      %dma_start3A_203 = tpu.memref_slice %arg8[%run_scoped3A_134, %dma_start3A_202] : memref<13x128xi32, #tpu.memory_space<vmem>> -> memref<1x128xi32, #tpu.memory_space<vmem>>
      %dma_start3A_204 = tpu.memref_squeeze %dma_start3A_203 : memref<1x128xi32, #tpu.memory_space<vmem>> -> memref<128xi32, #tpu.memory_space<vmem>>
      %dma_start3A_205 = arith.constant 0 : i32
      %dma_start3A_206 = arith.constant 0 : i32
      %dma_start3A_207 = tpu.memref_slice %arg10[%dma_start3A_205, %dma_start3A_206] : memref<3328x128xf32, #tpu.memory_space<vmem_shared>> -> memref<3328x128xf32, #tpu.memory_space<vmem_shared>>
      tpu.enqueue_indirect_dma source(%arg9 : memref<128x128xf32, #tpu.memory_space<vmem>>) target(%dma_start3A_207 : memref<3328x128xf32, #tpu.memory_space<vmem_shared>>) offsets(%dma_start3A_204 : memref<128xi32, #tpu.memory_space<vmem>>) semaphore(%run_scoped3A_201 : memref<!tpu.dma_semaphore, #tpu.memory_space<semaphore_mem>>) {add = true}
      %dma_wait3A_208 = arith.constant 0 : i32
      %dma_wait3A_209 = tpu.memref_slice %arg8[%run_scoped3A_134, %dma_wait3A_208] : memref<13x128xi32, #tpu.memory_space<vmem>> -> memref<1x128xi32, #tpu.memory_space<vmem>>
      %dma_wait3A_210 = tpu.memref_squeeze %dma_wait3A_209 : memref<1x128xi32, #tpu.memory_space<vmem>> -> memref<128xi32, #tpu.memory_space<vmem>>
      %dma_wait3A_211 = arith.constant 0 : i32
      %dma_wait3A_212 = arith.constant 0 : i32
      %dma_wait3A_213 = tpu.memref_slice %arg10[%dma_wait3A_211, %dma_wait3A_212] : memref<3328x128xf32, #tpu.memory_space<vmem_shared>> -> memref<3328x128xf32, #tpu.memory_space<vmem_shared>>
      tpu.wait_indirect_dma semaphore(%run_scoped3A_201 : memref<!tpu.dma_semaphore, #tpu.memory_space<semaphore_mem>>) src(%arg9 : memref<128x128xf32, #tpu.memory_space<vmem>>) dst(%dma_wait3A_213 : memref<3328x128xf32, #tpu.memory_space<vmem_shared>>)
      tpu.yield
    }) : () -> ()
    %dma_start3A_135 = arith.constant 9 : i32
    %dma_start3A_136 = arith.constant 0 : i32
    %dma_start3A_137 = tpu.memref_slice %arg7[%dma_start3A_135, %dma_start3A_136] : memref<13x128xi32, #tpu.memory_space<vmem>> -> memref<1x128xi32, #tpu.memory_space<vmem>>
    %dma_start3A_138 = tpu.memref_squeeze %dma_start3A_137 : memref<1x128xi32, #tpu.memory_space<vmem>> -> memref<128xi32, #tpu.memory_space<vmem>>
    %dma_start3A_139 = arith.constant 0 : i32
    %dma_start3A_140 = arith.constant 0 : i32
    %dma_start3A_141 = tpu.memref_slice %arg2[%dma_start3A_139, %dma_start3A_140] : memref<3328x128xf32, #tpu.memory_space<hbm>> -> memref<3328x128xf32, #tpu.memory_space<hbm>>
    tpu.enqueue_indirect_dma source(%dma_start3A_141 : memref<3328x128xf32, #tpu.memory_space<hbm>>) target(%arg9 : memref<128x128xf32, #tpu.memory_space<vmem>>) offsets(%dma_start3A_138 : memref<128xi32, #tpu.memory_space<vmem>>) semaphore(%arg11 : memref<!tpu.dma_semaphore, #tpu.memory_space<semaphore_mem>>)
    %dma_wait3A_142 = arith.constant 9 : i32
    %dma_wait3A_143 = arith.constant 0 : i32
    %dma_wait3A_144 = tpu.memref_slice %arg7[%dma_wait3A_142, %dma_wait3A_143] : memref<13x128xi32, #tpu.memory_space<vmem>> -> memref<1x128xi32, #tpu.memory_space<vmem>>
    %dma_wait3A_145 = tpu.memref_squeeze %dma_wait3A_144 : memref<1x128xi32, #tpu.memory_space<vmem>> -> memref<128xi32, #tpu.memory_space<vmem>>
    %dma_wait3A_146 = arith.constant 0 : i32
    %dma_wait3A_147 = arith.constant 0 : i32
    %dma_wait3A_148 = tpu.memref_slice %arg2[%dma_wait3A_146, %dma_wait3A_147] : memref<3328x128xf32, #tpu.memory_space<hbm>> -> memref<3328x128xf32, #tpu.memory_space<hbm>>
    tpu.wait_indirect_dma semaphore(%arg11 : memref<!tpu.dma_semaphore, #tpu.memory_space<semaphore_mem>>) src(%dma_wait3A_148 : memref<3328x128xf32, #tpu.memory_space<hbm>>) dst(%arg9 : memref<128x128xf32, #tpu.memory_space<vmem>>)
    %run_scoped3A_149 = arith.constant 9 : i32
    "tpu.region"() ({
      %run_scoped3A_201 = tpu.sem_alloc : memref<!tpu.dma_semaphore, #tpu.memory_space<semaphore_mem>>
      %dma_start3A_202 = arith.constant 0 : i32
      %dma_start3A_203 = tpu.memref_slice %arg8[%run_scoped3A_149, %dma_start3A_202] : memref<13x128xi32, #tpu.memory_space<vmem>> -> memref<1x128xi32, #tpu.memory_space<vmem>>
      %dma_start3A_204 = tpu.memref_squeeze %dma_start3A_203 : memref<1x128xi32, #tpu.memory_space<vmem>> -> memref<128xi32, #tpu.memory_space<vmem>>
      %dma_start3A_205 = arith.constant 0 : i32
      %dma_start3A_206 = arith.constant 0 : i32
      %dma_start3A_207 = tpu.memref_slice %arg10[%dma_start3A_205, %dma_start3A_206] : memref<3328x128xf32, #tpu.memory_space<vmem_shared>> -> memref<3328x128xf32, #tpu.memory_space<vmem_shared>>
      tpu.enqueue_indirect_dma source(%arg9 : memref<128x128xf32, #tpu.memory_space<vmem>>) target(%dma_start3A_207 : memref<3328x128xf32, #tpu.memory_space<vmem_shared>>) offsets(%dma_start3A_204 : memref<128xi32, #tpu.memory_space<vmem>>) semaphore(%run_scoped3A_201 : memref<!tpu.dma_semaphore, #tpu.memory_space<semaphore_mem>>) {add = true}
      %dma_wait3A_208 = arith.constant 0 : i32
      %dma_wait3A_209 = tpu.memref_slice %arg8[%run_scoped3A_149, %dma_wait3A_208] : memref<13x128xi32, #tpu.memory_space<vmem>> -> memref<1x128xi32, #tpu.memory_space<vmem>>
      %dma_wait3A_210 = tpu.memref_squeeze %dma_wait3A_209 : memref<1x128xi32, #tpu.memory_space<vmem>> -> memref<128xi32, #tpu.memory_space<vmem>>
      %dma_wait3A_211 = arith.constant 0 : i32
      %dma_wait3A_212 = arith.constant 0 : i32
      %dma_wait3A_213 = tpu.memref_slice %arg10[%dma_wait3A_211, %dma_wait3A_212] : memref<3328x128xf32, #tpu.memory_space<vmem_shared>> -> memref<3328x128xf32, #tpu.memory_space<vmem_shared>>
      tpu.wait_indirect_dma semaphore(%run_scoped3A_201 : memref<!tpu.dma_semaphore, #tpu.memory_space<semaphore_mem>>) src(%arg9 : memref<128x128xf32, #tpu.memory_space<vmem>>) dst(%dma_wait3A_213 : memref<3328x128xf32, #tpu.memory_space<vmem_shared>>)
      tpu.yield
    }) : () -> ()
    %dma_start3A_150 = arith.constant 10 : i32
    %dma_start3A_151 = arith.constant 0 : i32
    %dma_start3A_152 = tpu.memref_slice %arg7[%dma_start3A_150, %dma_start3A_151] : memref<13x128xi32, #tpu.memory_space<vmem>> -> memref<1x128xi32, #tpu.memory_space<vmem>>
    %dma_start3A_153 = tpu.memref_squeeze %dma_start3A_152 : memref<1x128xi32, #tpu.memory_space<vmem>> -> memref<128xi32, #tpu.memory_space<vmem>>
    %dma_start3A_154 = arith.constant 0 : i32
    %dma_start3A_155 = arith.constant 0 : i32
    %dma_start3A_156 = tpu.memref_slice %arg2[%dma_start3A_154, %dma_start3A_155] : memref<3328x128xf32, #tpu.memory_space<hbm>> -> memref<3328x128xf32, #tpu.memory_space<hbm>>
    tpu.enqueue_indirect_dma source(%dma_start3A_156 : memref<3328x128xf32, #tpu.memory_space<hbm>>) target(%arg9 : memref<128x128xf32, #tpu.memory_space<vmem>>) offsets(%dma_start3A_153 : memref<128xi32, #tpu.memory_space<vmem>>) semaphore(%arg11 : memref<!tpu.dma_semaphore, #tpu.memory_space<semaphore_mem>>)
    %dma_wait3A_157 = arith.constant 10 : i32
    %dma_wait3A_158 = arith.constant 0 : i32
    %dma_wait3A_159 = tpu.memref_slice %arg7[%dma_wait3A_157, %dma_wait3A_158] : memref<13x128xi32, #tpu.memory_space<vmem>> -> memref<1x128xi32, #tpu.memory_space<vmem>>
    %dma_wait3A_160 = tpu.memref_squeeze %dma_wait3A_159 : memref<1x128xi32, #tpu.memory_space<vmem>> -> memref<128xi32, #tpu.memory_space<vmem>>
    %dma_wait3A_161 = arith.constant 0 : i32
    %dma_wait3A_162 = arith.constant 0 : i32
    %dma_wait3A_163 = tpu.memref_slice %arg2[%dma_wait3A_161, %dma_wait3A_162] : memref<3328x128xf32, #tpu.memory_space<hbm>> -> memref<3328x128xf32, #tpu.memory_space<hbm>>
    tpu.wait_indirect_dma semaphore(%arg11 : memref<!tpu.dma_semaphore, #tpu.memory_space<semaphore_mem>>) src(%dma_wait3A_163 : memref<3328x128xf32, #tpu.memory_space<hbm>>) dst(%arg9 : memref<128x128xf32, #tpu.memory_space<vmem>>)
    %run_scoped3A_164 = arith.constant 10 : i32
    "tpu.region"() ({
      %run_scoped3A_201 = tpu.sem_alloc : memref<!tpu.dma_semaphore, #tpu.memory_space<semaphore_mem>>
      %dma_start3A_202 = arith.constant 0 : i32
      %dma_start3A_203 = tpu.memref_slice %arg8[%run_scoped3A_164, %dma_start3A_202] : memref<13x128xi32, #tpu.memory_space<vmem>> -> memref<1x128xi32, #tpu.memory_space<vmem>>
      %dma_start3A_204 = tpu.memref_squeeze %dma_start3A_203 : memref<1x128xi32, #tpu.memory_space<vmem>> -> memref<128xi32, #tpu.memory_space<vmem>>
      %dma_start3A_205 = arith.constant 0 : i32
      %dma_start3A_206 = arith.constant 0 : i32
      %dma_start3A_207 = tpu.memref_slice %arg10[%dma_start3A_205, %dma_start3A_206] : memref<3328x128xf32, #tpu.memory_space<vmem_shared>> -> memref<3328x128xf32, #tpu.memory_space<vmem_shared>>
      tpu.enqueue_indirect_dma source(%arg9 : memref<128x128xf32, #tpu.memory_space<vmem>>) target(%dma_start3A_207 : memref<3328x128xf32, #tpu.memory_space<vmem_shared>>) offsets(%dma_start3A_204 : memref<128xi32, #tpu.memory_space<vmem>>) semaphore(%run_scoped3A_201 : memref<!tpu.dma_semaphore, #tpu.memory_space<semaphore_mem>>) {add = true}
      %dma_wait3A_208 = arith.constant 0 : i32
      %dma_wait3A_209 = tpu.memref_slice %arg8[%run_scoped3A_164, %dma_wait3A_208] : memref<13x128xi32, #tpu.memory_space<vmem>> -> memref<1x128xi32, #tpu.memory_space<vmem>>
      %dma_wait3A_210 = tpu.memref_squeeze %dma_wait3A_209 : memref<1x128xi32, #tpu.memory_space<vmem>> -> memref<128xi32, #tpu.memory_space<vmem>>
      %dma_wait3A_211 = arith.constant 0 : i32
      %dma_wait3A_212 = arith.constant 0 : i32
      %dma_wait3A_213 = tpu.memref_slice %arg10[%dma_wait3A_211, %dma_wait3A_212] : memref<3328x128xf32, #tpu.memory_space<vmem_shared>> -> memref<3328x128xf32, #tpu.memory_space<vmem_shared>>
      tpu.wait_indirect_dma semaphore(%run_scoped3A_201 : memref<!tpu.dma_semaphore, #tpu.memory_space<semaphore_mem>>) src(%arg9 : memref<128x128xf32, #tpu.memory_space<vmem>>) dst(%dma_wait3A_213 : memref<3328x128xf32, #tpu.memory_space<vmem_shared>>)
      tpu.yield
    }) : () -> ()
    %dma_start3A_165 = arith.constant 11 : i32
    %dma_start3A_166 = arith.constant 0 : i32
    %dma_start3A_167 = tpu.memref_slice %arg7[%dma_start3A_165, %dma_start3A_166] : memref<13x128xi32, #tpu.memory_space<vmem>> -> memref<1x128xi32, #tpu.memory_space<vmem>>
    %dma_start3A_168 = tpu.memref_squeeze %dma_start3A_167 : memref<1x128xi32, #tpu.memory_space<vmem>> -> memref<128xi32, #tpu.memory_space<vmem>>
    %dma_start3A_169 = arith.constant 0 : i32
    %dma_start3A_170 = arith.constant 0 : i32
    %dma_start3A_171 = tpu.memref_slice %arg2[%dma_start3A_169, %dma_start3A_170] : memref<3328x128xf32, #tpu.memory_space<hbm>> -> memref<3328x128xf32, #tpu.memory_space<hbm>>
    tpu.enqueue_indirect_dma source(%dma_start3A_171 : memref<3328x128xf32, #tpu.memory_space<hbm>>) target(%arg9 : memref<128x128xf32, #tpu.memory_space<vmem>>) offsets(%dma_start3A_168 : memref<128xi32, #tpu.memory_space<vmem>>) semaphore(%arg11 : memref<!tpu.dma_semaphore, #tpu.memory_space<semaphore_mem>>)
    %dma_wait3A_172 = arith.constant 11 : i32
    %dma_wait3A_173 = arith.constant 0 : i32
    %dma_wait3A_174 = tpu.memref_slice %arg7[%dma_wait3A_172, %dma_wait3A_173] : memref<13x128xi32, #tpu.memory_space<vmem>> -> memref<1x128xi32, #tpu.memory_space<vmem>>
    %dma_wait3A_175 = tpu.memref_squeeze %dma_wait3A_174 : memref<1x128xi32, #tpu.memory_space<vmem>> -> memref<128xi32, #tpu.memory_space<vmem>>
    %dma_wait3A_176 = arith.constant 0 : i32
    %dma_wait3A_177 = arith.constant 0 : i32
    %dma_wait3A_178 = tpu.memref_slice %arg2[%dma_wait3A_176, %dma_wait3A_177] : memref<3328x128xf32, #tpu.memory_space<hbm>> -> memref<3328x128xf32, #tpu.memory_space<hbm>>
    tpu.wait_indirect_dma semaphore(%arg11 : memref<!tpu.dma_semaphore, #tpu.memory_space<semaphore_mem>>) src(%dma_wait3A_178 : memref<3328x128xf32, #tpu.memory_space<hbm>>) dst(%arg9 : memref<128x128xf32, #tpu.memory_space<vmem>>)
    %run_scoped3A_179 = arith.constant 11 : i32
    "tpu.region"() ({
      %run_scoped3A_201 = tpu.sem_alloc : memref<!tpu.dma_semaphore, #tpu.memory_space<semaphore_mem>>
      %dma_start3A_202 = arith.constant 0 : i32
      %dma_start3A_203 = tpu.memref_slice %arg8[%run_scoped3A_179, %dma_start3A_202] : memref<13x128xi32, #tpu.memory_space<vmem>> -> memref<1x128xi32, #tpu.memory_space<vmem>>
      %dma_start3A_204 = tpu.memref_squeeze %dma_start3A_203 : memref<1x128xi32, #tpu.memory_space<vmem>> -> memref<128xi32, #tpu.memory_space<vmem>>
      %dma_start3A_205 = arith.constant 0 : i32
      %dma_start3A_206 = arith.constant 0 : i32
      %dma_start3A_207 = tpu.memref_slice %arg10[%dma_start3A_205, %dma_start3A_206] : memref<3328x128xf32, #tpu.memory_space<vmem_shared>> -> memref<3328x128xf32, #tpu.memory_space<vmem_shared>>
      tpu.enqueue_indirect_dma source(%arg9 : memref<128x128xf32, #tpu.memory_space<vmem>>) target(%dma_start3A_207 : memref<3328x128xf32, #tpu.memory_space<vmem_shared>>) offsets(%dma_start3A_204 : memref<128xi32, #tpu.memory_space<vmem>>) semaphore(%run_scoped3A_201 : memref<!tpu.dma_semaphore, #tpu.memory_space<semaphore_mem>>) {add = true}
      %dma_wait3A_208 = arith.constant 0 : i32
      %dma_wait3A_209 = tpu.memref_slice %arg8[%run_scoped3A_179, %dma_wait3A_208] : memref<13x128xi32, #tpu.memory_space<vmem>> -> memref<1x128xi32, #tpu.memory_space<vmem>>
      %dma_wait3A_210 = tpu.memref_squeeze %dma_wait3A_209 : memref<1x128xi32, #tpu.memory_space<vmem>> -> memref<128xi32, #tpu.memory_space<vmem>>
      %dma_wait3A_211 = arith.constant 0 : i32
      %dma_wait3A_212 = arith.constant 0 : i32
      %dma_wait3A_213 = tpu.memref_slice %arg10[%dma_wait3A_211, %dma_wait3A_212] : memref<3328x128xf32, #tpu.memory_space<vmem_shared>> -> memref<3328x128xf32, #tpu.memory_space<vmem_shared>>
      tpu.wait_indirect_dma semaphore(%run_scoped3A_201 : memref<!tpu.dma_semaphore, #tpu.memory_space<semaphore_mem>>) src(%arg9 : memref<128x128xf32, #tpu.memory_space<vmem>>) dst(%dma_wait3A_213 : memref<3328x128xf32, #tpu.memory_space<vmem_shared>>)
      tpu.yield
    }) : () -> ()
    %dma_start3A_180 = arith.constant 12 : i32
    %dma_start3A_181 = arith.constant 0 : i32
    %dma_start3A_182 = tpu.memref_slice %arg7[%dma_start3A_180, %dma_start3A_181] : memref<13x128xi32, #tpu.memory_space<vmem>> -> memref<1x128xi32, #tpu.memory_space<vmem>>
    %dma_start3A_183 = tpu.memref_squeeze %dma_start3A_182 : memref<1x128xi32, #tpu.memory_space<vmem>> -> memref<128xi32, #tpu.memory_space<vmem>>
    %dma_start3A_184 = arith.constant 0 : i32
    %dma_start3A_185 = arith.constant 0 : i32
    %dma_start3A_186 = tpu.memref_slice %arg2[%dma_start3A_184, %dma_start3A_185] : memref<3328x128xf32, #tpu.memory_space<hbm>> -> memref<3328x128xf32, #tpu.memory_space<hbm>>
    tpu.enqueue_indirect_dma source(%dma_start3A_186 : memref<3328x128xf32, #tpu.memory_space<hbm>>) target(%arg9 : memref<128x128xf32, #tpu.memory_space<vmem>>) offsets(%dma_start3A_183 : memref<128xi32, #tpu.memory_space<vmem>>) semaphore(%arg11 : memref<!tpu.dma_semaphore, #tpu.memory_space<semaphore_mem>>)
    %dma_wait3A_187 = arith.constant 12 : i32
    %dma_wait3A_188 = arith.constant 0 : i32
    %dma_wait3A_189 = tpu.memref_slice %arg7[%dma_wait3A_187, %dma_wait3A_188] : memref<13x128xi32, #tpu.memory_space<vmem>> -> memref<1x128xi32, #tpu.memory_space<vmem>>
    %dma_wait3A_190 = tpu.memref_squeeze %dma_wait3A_189 : memref<1x128xi32, #tpu.memory_space<vmem>> -> memref<128xi32, #tpu.memory_space<vmem>>
    %dma_wait3A_191 = arith.constant 0 : i32
    %dma_wait3A_192 = arith.constant 0 : i32
    %dma_wait3A_193 = tpu.memref_slice %arg2[%dma_wait3A_191, %dma_wait3A_192] : memref<3328x128xf32, #tpu.memory_space<hbm>> -> memref<3328x128xf32, #tpu.memory_space<hbm>>
    tpu.wait_indirect_dma semaphore(%arg11 : memref<!tpu.dma_semaphore, #tpu.memory_space<semaphore_mem>>) src(%dma_wait3A_193 : memref<3328x128xf32, #tpu.memory_space<hbm>>) dst(%arg9 : memref<128x128xf32, #tpu.memory_space<vmem>>)
    %run_scoped3A_194 = arith.constant 12 : i32
    "tpu.region"() ({
      %run_scoped3A_201 = tpu.sem_alloc : memref<!tpu.dma_semaphore, #tpu.memory_space<semaphore_mem>>
      %dma_start3A_202 = arith.constant 0 : i32
      %dma_start3A_203 = tpu.memref_slice %arg8[%run_scoped3A_194, %dma_start3A_202] : memref<13x128xi32, #tpu.memory_space<vmem>> -> memref<1x128xi32, #tpu.memory_space<vmem>>
      %dma_start3A_204 = tpu.memref_squeeze %dma_start3A_203 : memref<1x128xi32, #tpu.memory_space<vmem>> -> memref<128xi32, #tpu.memory_space<vmem>>
      %dma_start3A_205 = arith.constant 0 : i32
      %dma_start3A_206 = arith.constant 0 : i32
      %dma_start3A_207 = tpu.memref_slice %arg10[%dma_start3A_205, %dma_start3A_206] : memref<3328x128xf32, #tpu.memory_space<vmem_shared>> -> memref<3328x128xf32, #tpu.memory_space<vmem_shared>>
      tpu.enqueue_indirect_dma source(%arg9 : memref<128x128xf32, #tpu.memory_space<vmem>>) target(%dma_start3A_207 : memref<3328x128xf32, #tpu.memory_space<vmem_shared>>) offsets(%dma_start3A_204 : memref<128xi32, #tpu.memory_space<vmem>>) semaphore(%run_scoped3A_201 : memref<!tpu.dma_semaphore, #tpu.memory_space<semaphore_mem>>) {add = true}
      %dma_wait3A_208 = arith.constant 0 : i32
      %dma_wait3A_209 = tpu.memref_slice %arg8[%run_scoped3A_194, %dma_wait3A_208] : memref<13x128xi32, #tpu.memory_space<vmem>> -> memref<1x128xi32, #tpu.memory_space<vmem>>
      %dma_wait3A_210 = tpu.memref_squeeze %dma_wait3A_209 : memref<1x128xi32, #tpu.memory_space<vmem>> -> memref<128xi32, #tpu.memory_space<vmem>>
      %dma_wait3A_211 = arith.constant 0 : i32
      %dma_wait3A_212 = arith.constant 0 : i32
      %dma_wait3A_213 = tpu.memref_slice %arg10[%dma_wait3A_211, %dma_wait3A_212] : memref<3328x128xf32, #tpu.memory_space<vmem_shared>> -> memref<3328x128xf32, #tpu.memory_space<vmem_shared>>
      tpu.wait_indirect_dma semaphore(%run_scoped3A_201 : memref<!tpu.dma_semaphore, #tpu.memory_space<semaphore_mem>>) src(%arg9 : memref<128x128xf32, #tpu.memory_space<vmem>>) dst(%dma_wait3A_213 : memref<3328x128xf32, #tpu.memory_space<vmem_shared>>)
      tpu.yield
    }) : () -> ()
    %barrier3A_195 = arith.constant 0 : index
    tpu.barrier barrier_id(%barrier3A_195)
    %eq3A_196 = arith.constant 0 : i32
    %eq3A_197 = arith.cmpi eq, %arg1, %eq3A_196 : i32
    %convert_element_type3A_198 = arith.extui %eq3A_197 : i1 to i32
    %cond3A_199 = arith.constant 0 : i32
    %cond3A_200 = arith.cmpi ne, %convert_element_type3A_198, %cond3A_199 : i32
    scf.if %cond3A_200 {
      "tpu.region"() ({
        %run_scoped3A_201 = tpu.sem_alloc : memref<!tpu.dma_semaphore, #tpu.memory_space<semaphore_mem>>
        %dma_start3A_202 = arith.constant 0 : i32
        %dma_start3A_203 = arith.constant 0 : i32
        %dma_start3A_204 = tpu.memref_slice %arg6[%arg0, %dma_start3A_202, %dma_start3A_203] : memref<2x3328x128xf32, #tpu.memory_space<hbm>> -> memref<1x3328x128xf32, #tpu.memory_space<hbm>>
        %dma_start3A_205 = tpu.memref_squeeze %dma_start3A_204 : memref<1x3328x128xf32, #tpu.memory_space<hbm>> -> memref<3328x128xf32, #tpu.memory_space<hbm>>
        tpu.enqueue_dma source(%arg10 : memref<3328x128xf32, #tpu.memory_space<vmem_shared>>) target(%dma_start3A_205 : memref<3328x128xf32, #tpu.memory_space<hbm>>) target_semaphore(%run_scoped3A_201 : memref<!tpu.dma_semaphore, #tpu.memory_space<semaphore_mem>>)
        %dma_wait3A_206 = arith.constant 0 : i32
        %dma_wait3A_207 = arith.constant 0 : i32
        %dma_wait3A_208 = tpu.memref_slice %arg6[%arg0, %dma_wait3A_206, %dma_wait3A_207] : memref<2x3328x128xf32, #tpu.memory_space<hbm>> -> memref<1x3328x128xf32, #tpu.memory_space<hbm>>
        %dma_wait3A_209 = tpu.memref_squeeze %dma_wait3A_208 : memref<1x3328x128xf32, #tpu.memory_space<hbm>> -> memref<3328x128xf32, #tpu.memory_space<hbm>>
        tpu.wait_dma2 semaphore(%run_scoped3A_201 : memref<!tpu.dma_semaphore, #tpu.memory_space<semaphore_mem>>) src(%arg10 : memref<3328x128xf32, #tpu.memory_space<vmem_shared>>) dst(%dma_wait3A_209 : memref<3328x128xf32, #tpu.memory_space<hbm>>)
        tpu.yield
      }) : () -> ()
    } else {
    }
    return
  }
}

module attributes {stable_mosaic.version = 14 : i64} {
  func.func @_main_kernel(%arg0: i32, %arg1: memref<512x300xf32, #tpu.memory_space<vmem>>, %arg2: memref<300x300xf32, #tpu.memory_space<vmem>>, %arg3: memref<300x100xf32, #tpu.memory_space<vmem>>, %arg4: memref<1x100xf32, #tpu.memory_space<vmem>>, %arg5: memref<100x16xf32, #tpu.memory_space<vmem>>, %arg6: memref<1x16xf32, #tpu.memory_space<vmem>>, %arg7: memref<16x3328xf32, #tpu.memory_space<vmem>>, %arg8: memref<2x3328x128xf32, #tpu.memory_space<vmem>>, %arg9: memref<3328x128xf32, #tpu.memory_space<vmem>>, %arg10: memref<128x16xf32, #tpu.memory_space<vmem>>, %arg11: memref<128x16xf32, #tpu.memory_space<vmem>>, %arg12: memref<16x16xf32, #tpu.memory_space<vmem>>, %arg13: memref<1x16xf32, #tpu.memory_space<vmem>>, %arg14: memref<16x16xf32, #tpu.memory_space<vmem>>, %arg15: memref<1x16xf32, #tpu.memory_space<vmem>>, %arg16: memref<16x16xf32, #tpu.memory_space<vmem>>, %arg17: memref<16x8xf32, #tpu.memory_space<vmem>>, %arg18: memref<1x8xf32, #tpu.memory_space<vmem>>, %arg19: memref<512x8xf32, #tpu.memory_space<vmem>>) attributes {dimension_semantics = [#tpu.dimension_semantics<arbitrary>], iteration_bounds = array<i64: 8>, scalar_prefetch = 0 : i64, scratch_operands = 0 : i64, tpu.core_type = #tpu.core_type<tc>, window_params = [{transform_indices = @transform_0, window_bounds = array<i64: 512, 300>}, {pipeline_mode = #tpu.pipeline_mode<synchronous>, transform_indices = @transform_1, window_bounds = array<i64: 300, 300>}, {pipeline_mode = #tpu.pipeline_mode<synchronous>, transform_indices = @transform_2, window_bounds = array<i64: 300, 100>}, {pipeline_mode = #tpu.pipeline_mode<synchronous>, transform_indices = @transform_3, window_bounds = array<i64: 1, 100>}, {pipeline_mode = #tpu.pipeline_mode<synchronous>, transform_indices = @transform_4, window_bounds = array<i64: 100, 16>}, {pipeline_mode = #tpu.pipeline_mode<synchronous>, transform_indices = @transform_5, window_bounds = array<i64: 1, 16>}, {pipeline_mode = #tpu.pipeline_mode<synchronous>, transform_indices = @transform_6, window_bounds = array<i64: 16, 3328>}, {pipeline_mode = #tpu.pipeline_mode<synchronous>, transform_indices = @transform_7, window_bounds = array<i64: 2, 3328, 128>}, {pipeline_mode = #tpu.pipeline_mode<synchronous>, transform_indices = @transform_8, window_bounds = array<i64: 3328, 128>}, {pipeline_mode = #tpu.pipeline_mode<synchronous>, transform_indices = @transform_9, window_bounds = array<i64: 128, 16>}, {pipeline_mode = #tpu.pipeline_mode<synchronous>, transform_indices = @transform_10, window_bounds = array<i64: 128, 16>}, {pipeline_mode = #tpu.pipeline_mode<synchronous>, transform_indices = @transform_11, window_bounds = array<i64: 16, 16>}, {pipeline_mode = #tpu.pipeline_mode<synchronous>, transform_indices = @transform_12, window_bounds = array<i64: 1, 16>}, {pipeline_mode = #tpu.pipeline_mode<synchronous>, transform_indices = @transform_13, window_bounds = array<i64: 16, 16>}, {pipeline_mode = #tpu.pipeline_mode<synchronous>, transform_indices = @transform_14, window_bounds = array<i64: 1, 16>}, {pipeline_mode = #tpu.pipeline_mode<synchronous>, transform_indices = @transform_15, window_bounds = array<i64: 16, 16>}, {pipeline_mode = #tpu.pipeline_mode<synchronous>, transform_indices = @transform_16, window_bounds = array<i64: 16, 8>}, {pipeline_mode = #tpu.pipeline_mode<synchronous>, transform_indices = @transform_17, window_bounds = array<i64: 1, 8>}, {transform_indices = @transform_18, window_bounds = array<i64: 512, 8>}]} {
    %get3A = arith.constant 0 : index
    %get3A_0 = arith.constant 0 : index
    %get3A_1 = arith.constant 0 : index
    %get3A_2 = vector.load %arg8[%get3A, %get3A_0, %get3A_1] : memref<2x3328x128xf32, #tpu.memory_space<vmem>>, vector<1x3328x128xf32>
    %get3A_3 = vector.shape_cast %get3A_2 : vector<1x3328x128xf32> to vector<3328x128xf32>
    %get3A_4 = arith.constant 1 : index
    %get3A_5 = arith.constant 0 : index
    %get3A_6 = arith.constant 0 : index
    %get3A_7 = vector.load %arg8[%get3A_4, %get3A_5, %get3A_6] : memref<2x3328x128xf32, #tpu.memory_space<vmem>>, vector<1x3328x128xf32>
    %get3A_8 = vector.shape_cast %get3A_7 : vector<1x3328x128xf32> to vector<3328x128xf32>
    %add3A = arith.addf %get3A_3, %get3A_8 : vector<3328x128xf32>
    %slice3A = vector.extract_strided_slice %add3A {offsets = [0, 10], sizes = [3328, 1], strides = [1, 1]} : vector<3328x128xf32> to vector<3328x1xf32>
    %max3A = arith.constant 1.000000e+00 : f32
    %max3A_9 = vector.broadcast %max3A : f32 to vector<3328x1xf32>
    %max3A_10 = arith.maximumf %slice3A, %max3A_9 : vector<3328x1xf32>
    %div3A = vector.broadcast %max3A_10 : vector<3328x1xf32> to vector<3328x128xf32>
    %div3A_11 = arith.divf %add3A, %div3A : vector<3328x128xf32>
    %get3A_12 = arith.constant 0 : index
    %get3A_13 = arith.constant 0 : index
    %get3A_14 = vector.load %arg10[%get3A_12, %get3A_13] : memref<128x16xf32, #tpu.memory_space<vmem>>, vector<128x16xf32>
    %dot_general3A = arith.constant dense<0.000000e+00> : vector<3328x16xf32>
    %dot_general3A_15 = tpu.matmul %div3A_11, %get3A_14, %dot_general3A {dimension_numbers = #tpu.dot_dimension_numbers<[1], [0], [0], [1], [0, 0, 1, 1], [], []>, transpose_lhs_hint = false} : vector<3328x128xf32>, vector<128x16xf32>, vector<3328x16xf32> -> vector<3328x16xf32>
    %get3A_16 = arith.constant 0 : index
    %get3A_17 = arith.constant 0 : index
    %get3A_18 = vector.load %arg13[%get3A_16, %get3A_17] : memref<1x16xf32, #tpu.memory_space<vmem>>, vector<1x16xf32>
    %add3A_19 = vector.broadcast %get3A_18 : vector<1x16xf32> to vector<3328x16xf32>
    %add3A_20 = arith.addf %dot_general3A_15, %add3A_19 : vector<3328x16xf32>
    %get3A_21 = arith.constant 0 : index
    %get3A_22 = arith.constant 0 : index
    %get3A_23 = vector.load %arg9[%get3A_21, %get3A_22] : memref<3328x128xf32, #tpu.memory_space<vmem>>, vector<3328x128xf32>
    %get3A_24 = arith.constant 0 : index
    %get3A_25 = arith.constant 0 : index
    %get3A_26 = vector.load %arg11[%get3A_24, %get3A_25] : memref<128x16xf32, #tpu.memory_space<vmem>>, vector<128x16xf32>
    %dot_general3A_27 = arith.constant dense<0.000000e+00> : vector<3328x16xf32>
    %dot_general3A_28 = tpu.matmul %get3A_23, %get3A_26, %dot_general3A_27 {dimension_numbers = #tpu.dot_dimension_numbers<[1], [0], [0], [1], [0, 0, 1, 1], [], []>, transpose_lhs_hint = false} : vector<3328x128xf32>, vector<128x16xf32>, vector<3328x16xf32> -> vector<3328x16xf32>
    %add3A_29 = arith.addf %add3A_20, %dot_general3A_28 : vector<3328x16xf32>
    %max3A_30 = arith.constant 0.000000e+00 : f32
    %max3A_31 = vector.broadcast %max3A_30 : f32 to vector<3328x16xf32>
    %max3A_32 = arith.maximumf %add3A_29, %max3A_31 : vector<3328x16xf32>
    %get3A_33 = arith.constant 0 : index
    %get3A_34 = arith.constant 0 : index
    %get3A_35 = vector.load %arg1[%get3A_33, %get3A_34] : memref<512x300xf32, #tpu.memory_space<vmem>>, vector<512x300xf32>
    %get3A_36 = arith.constant 0 : index
    %get3A_37 = arith.constant 0 : index
    %get3A_38 = vector.load %arg2[%get3A_36, %get3A_37] : memref<300x300xf32, #tpu.memory_space<vmem>>, vector<300x300xf32>
    %dot_general3A_39 = arith.constant dense<0.000000e+00> : vector<512x300xf32>
    %dot_general3A_40 = tpu.matmul %get3A_35, %get3A_38, %dot_general3A_39 {dimension_numbers = #tpu.dot_dimension_numbers<[1], [0], [0], [1], [0, 0, 1, 1], [], []>, transpose_lhs_hint = false} : vector<512x300xf32>, vector<300x300xf32>, vector<512x300xf32> -> vector<512x300xf32>
    %max3A_41 = arith.constant 0.000000e+00 : f32
    %max3A_42 = vector.broadcast %max3A_41 : f32 to vector<512x300xf32>
    %max3A_43 = arith.maximumf %dot_general3A_40, %max3A_42 : vector<512x300xf32>
    %get3A_44 = arith.constant 0 : index
    %get3A_45 = arith.constant 0 : index
    %get3A_46 = vector.load %arg3[%get3A_44, %get3A_45] : memref<300x100xf32, #tpu.memory_space<vmem>>, vector<300x100xf32>
    %dot_general3A_47 = arith.constant dense<0.000000e+00> : vector<512x100xf32>
    %dot_general3A_48 = tpu.matmul %max3A_43, %get3A_46, %dot_general3A_47 {dimension_numbers = #tpu.dot_dimension_numbers<[1], [0], [0], [1], [0, 0, 1, 1], [], []>, transpose_lhs_hint = false} : vector<512x300xf32>, vector<300x100xf32>, vector<512x100xf32> -> vector<512x100xf32>
    %get3A_49 = arith.constant 0 : index
    %get3A_50 = arith.constant 0 : index
    %get3A_51 = vector.load %arg4[%get3A_49, %get3A_50] : memref<1x100xf32, #tpu.memory_space<vmem>>, vector<1x100xf32>
    %add3A_52 = vector.broadcast %get3A_51 : vector<1x100xf32> to vector<512x100xf32>
    %add3A_53 = arith.addf %dot_general3A_48, %add3A_52 : vector<512x100xf32>
    %max3A_54 = arith.constant 0.000000e+00 : f32
    %max3A_55 = vector.broadcast %max3A_54 : f32 to vector<512x100xf32>
    %max3A_56 = arith.maximumf %add3A_53, %max3A_55 : vector<512x100xf32>
    %get3A_57 = arith.constant 0 : index
    %get3A_58 = arith.constant 0 : index
    %get3A_59 = vector.load %arg5[%get3A_57, %get3A_58] : memref<100x16xf32, #tpu.memory_space<vmem>>, vector<100x16xf32>
    %dot_general3A_60 = arith.constant dense<0.000000e+00> : vector<512x16xf32>
    %dot_general3A_61 = tpu.matmul %max3A_56, %get3A_59, %dot_general3A_60 {dimension_numbers = #tpu.dot_dimension_numbers<[1], [0], [0], [1], [0, 0, 1, 1], [], []>, transpose_lhs_hint = false} : vector<512x100xf32>, vector<100x16xf32>, vector<512x16xf32> -> vector<512x16xf32>
    %get3A_62 = arith.constant 0 : index
    %get3A_63 = arith.constant 0 : index
    %get3A_64 = vector.load %arg6[%get3A_62, %get3A_63] : memref<1x16xf32, #tpu.memory_space<vmem>>, vector<1x16xf32>
    %add3A_65 = vector.broadcast %get3A_64 : vector<1x16xf32> to vector<512x16xf32>
    %add3A_66 = arith.addf %dot_general3A_61, %add3A_65 : vector<512x16xf32>
    %max3A_67 = arith.constant 0.000000e+00 : f32
    %max3A_68 = vector.broadcast %max3A_67 : f32 to vector<512x16xf32>
    %max3A_69 = arith.maximumf %add3A_66, %max3A_68 : vector<512x16xf32>
    %get3A_70 = arith.constant 0 : index
    %get3A_71 = arith.constant 0 : index
    %get3A_72 = vector.load %arg7[%get3A_70, %get3A_71] : memref<16x3328xf32, #tpu.memory_space<vmem>>, vector<16x3328xf32>
    %dot_general3A_73 = arith.constant dense<0.000000e+00> : vector<512x3328xf32>
    %dot_general3A_74 = tpu.matmul %max3A_69, %get3A_72, %dot_general3A_73 {dimension_numbers = #tpu.dot_dimension_numbers<[1], [0], [0], [1], [0, 0, 1, 1], [], []>, transpose_lhs_hint = false} : vector<512x16xf32>, vector<16x3328xf32>, vector<512x3328xf32> -> vector<512x3328xf32>
    %mul3A = arith.mulf %max3A_69, %max3A_69 : vector<512x16xf32>
    %reduce_sum3A = arith.constant dense<0.000000e+00> : vector<512xf32>
    %reduce_sum3A_75 = vector.multi_reduction <add>, %mul3A, %reduce_sum3A [1] : vector<512x16xf32> to vector<512xf32>
    %broadcast_in_dim3A = vector.shape_cast %reduce_sum3A_75 : vector<512xf32> to vector<512x1xf32>
    %sqrt3A = math.sqrt %broadcast_in_dim3A : vector<512x1xf32>
    %mul3A_76 = arith.mulf %get3A_72, %get3A_72 : vector<16x3328xf32>
    %reduce_sum3A_77 = arith.constant dense<0.000000e+00> : vector<3328xf32>
    %reduce_sum3A_78 = vector.multi_reduction <add>, %mul3A_76, %reduce_sum3A_77 [0] : vector<16x3328xf32> to vector<3328xf32>
    %broadcast_in_dim3A_79 = vector.shape_cast %reduce_sum3A_78 : vector<3328xf32> to vector<1x3328xf32>
    %sqrt3A_80 = math.sqrt %broadcast_in_dim3A_79 : vector<1x3328xf32>
    %div3A_81 = vector.broadcast %sqrt3A : vector<512x1xf32> to vector<512x3328xf32>
    %div3A_82 = arith.divf %dot_general3A_74, %div3A_81 : vector<512x3328xf32>
    %div3A_83 = vector.broadcast %sqrt3A_80 : vector<1x3328xf32> to vector<512x3328xf32>
    %div3A_84 = arith.divf %div3A_82, %div3A_83 : vector<512x3328xf32>
    %iota3A = tpu.iota {dimensions = array<i32: 1>} : vector<512x3328xi32>
    %lt3A = arith.constant 3190 : i32
    %lt3A_85 = vector.broadcast %lt3A : i32 to vector<512x3328xi32>
    %lt3A_86 = arith.cmpi slt, %iota3A, %lt3A_85 : vector<512x3328xi32>
    %jit3A = arith.constant 0xFF800000 : f32
    %broadcast_in_dim3A_87 = vector.broadcast %jit3A : f32 to vector<512x3328xf32>
    %select_n3A = arith.select %lt3A_86, %div3A_84, %broadcast_in_dim3A_87 : vector<512x3328xi1>, vector<512x3328xf32>
    %ne3A = arith.cmpf one, %select_n3A, %select_n3A : vector<512x3328xf32>
    %jit3A_88 = arith.constant 0x7F800000 : f32
    %broadcast_in_dim3A_89 = vector.broadcast %jit3A_88 : f32 to vector<512x3328xf32>
    %select_n3A_90 = arith.select %ne3A, %broadcast_in_dim3A_89, %select_n3A : vector<512x3328xi1>, vector<512x3328xf32>
    %reduce_max3A = arith.constant dense<0xFF800000> : vector<512xf32>
    %reduce_max3A_91 = vector.multi_reduction <maximumf>, %select_n3A_90, %reduce_max3A [1] : vector<512x3328xf32> to vector<512xf32>
    %broadcast_in_dim3A_92 = vector.shape_cast %reduce_max3A_91 : vector<512xf32> to vector<512x1xf32>
    %eq3A = vector.broadcast %broadcast_in_dim3A_92 : vector<512x1xf32> to vector<512x3328xf32>
    %eq3A_93 = arith.cmpf oeq, %select_n3A_90, %eq3A : vector<512x3328xf32>
    %jit3A_94 = arith.constant 3328 : i32
    %broadcast_in_dim3A_95 = vector.broadcast %jit3A_94 : i32 to vector<512x3328xi32>
    %select_n3A_96 = arith.select %eq3A_93, %iota3A, %broadcast_in_dim3A_95 : vector<512x3328xi1>, vector<512x3328xi32>
    %reduce_min3A = arith.constant dense<2147483647> : vector<512xi32>
    %reduce_min3A_97 = vector.multi_reduction <minsi>, %select_n3A_96, %reduce_min3A [1] : vector<512x3328xi32> to vector<512xi32>
    %broadcast_in_dim3A_98 = vector.shape_cast %reduce_min3A_97 : vector<512xi32> to vector<512x1xi32>
    %eq3A_99 = vector.broadcast %broadcast_in_dim3A_98 : vector<512x1xi32> to vector<512x3328xi32>
    %eq3A_100 = arith.cmpi eq, %iota3A, %eq3A_99 : vector<512x3328xi32>
    %jit3A_101 = arith.constant 0xFF800000 : f32
    %broadcast_in_dim3A_102 = vector.broadcast %jit3A_101 : f32 to vector<512x3328xf32>
    %select_n3A_103 = arith.select %eq3A_100, %broadcast_in_dim3A_102, %select_n3A_90 : vector<512x3328xi1>, vector<512x3328xf32>
    %reduce_max3A_104 = arith.constant dense<0xFF800000> : vector<512xf32>
    %reduce_max3A_105 = vector.multi_reduction <maximumf>, %select_n3A_103, %reduce_max3A_104 [1] : vector<512x3328xf32> to vector<512xf32>
    %broadcast_in_dim3A_106 = vector.shape_cast %reduce_max3A_105 : vector<512xf32> to vector<512x1xf32>
    %eq3A_107 = vector.broadcast %broadcast_in_dim3A_106 : vector<512x1xf32> to vector<512x3328xf32>
    %eq3A_108 = arith.cmpf oeq, %select_n3A_103, %eq3A_107 : vector<512x3328xf32>
    %jit3A_109 = arith.constant 3328 : i32
    %broadcast_in_dim3A_110 = vector.broadcast %jit3A_109 : i32 to vector<512x3328xi32>
    %select_n3A_111 = arith.select %eq3A_108, %iota3A, %broadcast_in_dim3A_110 : vector<512x3328xi1>, vector<512x3328xi32>
    %reduce_min3A_112 = arith.constant dense<2147483647> : vector<512xi32>
    %reduce_min3A_113 = vector.multi_reduction <minsi>, %select_n3A_111, %reduce_min3A_112 [1] : vector<512x3328xi32> to vector<512xi32>
    %broadcast_in_dim3A_114 = vector.shape_cast %reduce_min3A_113 : vector<512xi32> to vector<512x1xi32>
    %eq3A_115 = vector.broadcast %broadcast_in_dim3A_114 : vector<512x1xi32> to vector<512x3328xi32>
    %eq3A_116 = arith.cmpi eq, %iota3A, %eq3A_115 : vector<512x3328xi32>
    %jit3A_117 = arith.constant 0xFF800000 : f32
    %broadcast_in_dim3A_118 = vector.broadcast %jit3A_117 : f32 to vector<512x3328xf32>
    %select_n3A_119 = arith.select %eq3A_116, %broadcast_in_dim3A_118, %select_n3A_103 : vector<512x3328xi1>, vector<512x3328xf32>
    %reduce_max3A_120 = arith.constant dense<0xFF800000> : vector<512xf32>
    %reduce_max3A_121 = vector.multi_reduction <maximumf>, %select_n3A_119, %reduce_max3A_120 [1] : vector<512x3328xf32> to vector<512xf32>
    %broadcast_in_dim3A_122 = vector.shape_cast %reduce_max3A_121 : vector<512xf32> to vector<512x1xf32>
    %eq3A_123 = vector.broadcast %broadcast_in_dim3A_122 : vector<512x1xf32> to vector<512x3328xf32>
    %eq3A_124 = arith.cmpf oeq, %select_n3A_119, %eq3A_123 : vector<512x3328xf32>
    %jit3A_125 = arith.constant 3328 : i32
    %broadcast_in_dim3A_126 = vector.broadcast %jit3A_125 : i32 to vector<512x3328xi32>
    %select_n3A_127 = arith.select %eq3A_124, %iota3A, %broadcast_in_dim3A_126 : vector<512x3328xi1>, vector<512x3328xi32>
    %reduce_min3A_128 = arith.constant dense<2147483647> : vector<512xi32>
    %reduce_min3A_129 = vector.multi_reduction <minsi>, %select_n3A_127, %reduce_min3A_128 [1] : vector<512x3328xi32> to vector<512xi32>
    %broadcast_in_dim3A_130 = vector.shape_cast %reduce_min3A_129 : vector<512xi32> to vector<512x1xi32>
    %eq3A_131 = vector.broadcast %broadcast_in_dim3A_130 : vector<512x1xi32> to vector<512x3328xi32>
    %eq3A_132 = arith.cmpi eq, %iota3A, %eq3A_131 : vector<512x3328xi32>
    %jit3A_133 = arith.constant 0xFF800000 : f32
    %broadcast_in_dim3A_134 = vector.broadcast %jit3A_133 : f32 to vector<512x3328xf32>
    %select_n3A_135 = arith.select %eq3A_132, %broadcast_in_dim3A_134, %select_n3A_119 : vector<512x3328xi1>, vector<512x3328xf32>
    %reduce_max3A_136 = arith.constant dense<0xFF800000> : vector<512xf32>
    %reduce_max3A_137 = vector.multi_reduction <maximumf>, %select_n3A_135, %reduce_max3A_136 [1] : vector<512x3328xf32> to vector<512xf32>
    %broadcast_in_dim3A_138 = vector.shape_cast %reduce_max3A_137 : vector<512xf32> to vector<512x1xf32>
    %eq3A_139 = vector.broadcast %broadcast_in_dim3A_138 : vector<512x1xf32> to vector<512x3328xf32>
    %eq3A_140 = arith.cmpf oeq, %select_n3A_135, %eq3A_139 : vector<512x3328xf32>
    %jit3A_141 = arith.constant 3328 : i32
    %broadcast_in_dim3A_142 = vector.broadcast %jit3A_141 : i32 to vector<512x3328xi32>
    %select_n3A_143 = arith.select %eq3A_140, %iota3A, %broadcast_in_dim3A_142 : vector<512x3328xi1>, vector<512x3328xi32>
    %reduce_min3A_144 = arith.constant dense<2147483647> : vector<512xi32>
    %reduce_min3A_145 = vector.multi_reduction <minsi>, %select_n3A_143, %reduce_min3A_144 [1] : vector<512x3328xi32> to vector<512xi32>
    %broadcast_in_dim3A_146 = vector.shape_cast %reduce_min3A_145 : vector<512xi32> to vector<512x1xi32>
    %eq3A_147 = vector.broadcast %broadcast_in_dim3A_146 : vector<512x1xi32> to vector<512x3328xi32>
    %eq3A_148 = arith.cmpi eq, %iota3A, %eq3A_147 : vector<512x3328xi32>
    %jit3A_149 = arith.constant 0xFF800000 : f32
    %broadcast_in_dim3A_150 = vector.broadcast %jit3A_149 : f32 to vector<512x3328xf32>
    %select_n3A_151 = arith.select %eq3A_148, %broadcast_in_dim3A_150, %select_n3A_135 : vector<512x3328xi1>, vector<512x3328xf32>
    %reduce_max3A_152 = arith.constant dense<0xFF800000> : vector<512xf32>
    %reduce_max3A_153 = vector.multi_reduction <maximumf>, %select_n3A_151, %reduce_max3A_152 [1] : vector<512x3328xf32> to vector<512xf32>
    %broadcast_in_dim3A_154 = vector.shape_cast %reduce_max3A_153 : vector<512xf32> to vector<512x1xf32>
    %eq3A_155 = vector.broadcast %broadcast_in_dim3A_154 : vector<512x1xf32> to vector<512x3328xf32>
    %eq3A_156 = arith.cmpf oeq, %select_n3A_151, %eq3A_155 : vector<512x3328xf32>
    %jit3A_157 = arith.constant 3328 : i32
    %broadcast_in_dim3A_158 = vector.broadcast %jit3A_157 : i32 to vector<512x3328xi32>
    %select_n3A_159 = arith.select %eq3A_156, %iota3A, %broadcast_in_dim3A_158 : vector<512x3328xi1>, vector<512x3328xi32>
    %reduce_min3A_160 = arith.constant dense<2147483647> : vector<512xi32>
    %reduce_min3A_161 = vector.multi_reduction <minsi>, %select_n3A_159, %reduce_min3A_160 [1] : vector<512x3328xi32> to vector<512xi32>
    %broadcast_in_dim3A_162 = vector.shape_cast %reduce_min3A_161 : vector<512xi32> to vector<512x1xi32>
    %eq3A_163 = vector.broadcast %broadcast_in_dim3A_162 : vector<512x1xi32> to vector<512x3328xi32>
    %eq3A_164 = arith.cmpi eq, %iota3A, %eq3A_163 : vector<512x3328xi32>
    %jit3A_165 = arith.constant 0xFF800000 : f32
    %broadcast_in_dim3A_166 = vector.broadcast %jit3A_165 : f32 to vector<512x3328xf32>
    %select_n3A_167 = arith.select %eq3A_164, %broadcast_in_dim3A_166, %select_n3A_151 : vector<512x3328xi1>, vector<512x3328xf32>
    %reduce_max3A_168 = arith.constant dense<0xFF800000> : vector<512xf32>
    %reduce_max3A_169 = vector.multi_reduction <maximumf>, %select_n3A_167, %reduce_max3A_168 [1] : vector<512x3328xf32> to vector<512xf32>
    %broadcast_in_dim3A_170 = vector.shape_cast %reduce_max3A_169 : vector<512xf32> to vector<512x1xf32>
    %eq3A_171 = vector.broadcast %broadcast_in_dim3A_170 : vector<512x1xf32> to vector<512x3328xf32>
    %eq3A_172 = arith.cmpf oeq, %select_n3A_167, %eq3A_171 : vector<512x3328xf32>
    %jit3A_173 = arith.constant 3328 : i32
    %broadcast_in_dim3A_174 = vector.broadcast %jit3A_173 : i32 to vector<512x3328xi32>
    %select_n3A_175 = arith.select %eq3A_172, %iota3A, %broadcast_in_dim3A_174 : vector<512x3328xi1>, vector<512x3328xi32>
    %reduce_min3A_176 = arith.constant dense<2147483647> : vector<512xi32>
    %reduce_min3A_177 = vector.multi_reduction <minsi>, %select_n3A_175, %reduce_min3A_176 [1] : vector<512x3328xi32> to vector<512xi32>
    %broadcast_in_dim3A_178 = vector.shape_cast %reduce_min3A_177 : vector<512xi32> to vector<512x1xi32>
    %eq3A_179 = arith.constant 1.000000e+00 : f32
    %eq3A_180 = vector.broadcast %eq3A_179 : f32 to vector<512x1xf32>
    %eq3A_181 = arith.cmpf oeq, %broadcast_in_dim3A_92, %eq3A_180 : vector<512x1xf32>
    %broadcast_in_dim3A_182 = arith.constant 0.000000e+00 : f32
    %broadcast_in_dim3A_183 = vector.broadcast %broadcast_in_dim3A_182 : f32 to vector<512x3328xf32>
    %select_n3A_184 = arith.select %eq3A_181, %broadcast_in_dim3A_114, %broadcast_in_dim3A_98 : vector<512x1xi1>, vector<512x1xi32>
    %eq3A_185 = vector.broadcast %select_n3A_184 : vector<512x1xi32> to vector<512x3328xi32>
    %eq3A_186 = arith.cmpi eq, %iota3A, %eq3A_185 : vector<512x3328xi32>
    %convert_element_type3A = arith.extui %eq3A_186 : vector<512x3328xi1> to vector<512x3328xi32>
    %convert_element_type3A_187 = arith.sitofp %convert_element_type3A : vector<512x3328xi32> to vector<512x3328xf32>
    %add3A_188 = arith.addf %broadcast_in_dim3A_183, %convert_element_type3A_187 : vector<512x3328xf32>
    %select_n3A_189 = arith.select %eq3A_181, %broadcast_in_dim3A_130, %broadcast_in_dim3A_114 : vector<512x1xi1>, vector<512x1xi32>
    %eq3A_190 = vector.broadcast %select_n3A_189 : vector<512x1xi32> to vector<512x3328xi32>
    %eq3A_191 = arith.cmpi eq, %iota3A, %eq3A_190 : vector<512x3328xi32>
    %convert_element_type3A_192 = arith.extui %eq3A_191 : vector<512x3328xi1> to vector<512x3328xi32>
    %convert_element_type3A_193 = arith.sitofp %convert_element_type3A_192 : vector<512x3328xi32> to vector<512x3328xf32>
    %add3A_194 = arith.addf %add3A_188, %convert_element_type3A_193 : vector<512x3328xf32>
    %select_n3A_195 = arith.select %eq3A_181, %broadcast_in_dim3A_146, %broadcast_in_dim3A_130 : vector<512x1xi1>, vector<512x1xi32>
    %eq3A_196 = vector.broadcast %select_n3A_195 : vector<512x1xi32> to vector<512x3328xi32>
    %eq3A_197 = arith.cmpi eq, %iota3A, %eq3A_196 : vector<512x3328xi32>
    %convert_element_type3A_198 = arith.extui %eq3A_197 : vector<512x3328xi1> to vector<512x3328xi32>
    %convert_element_type3A_199 = arith.sitofp %convert_element_type3A_198 : vector<512x3328xi32> to vector<512x3328xf32>
    %add3A_200 = arith.addf %add3A_194, %convert_element_type3A_199 : vector<512x3328xf32>
    %select_n3A_201 = arith.select %eq3A_181, %broadcast_in_dim3A_162, %broadcast_in_dim3A_146 : vector<512x1xi1>, vector<512x1xi32>
    %eq3A_202 = vector.broadcast %select_n3A_201 : vector<512x1xi32> to vector<512x3328xi32>
    %eq3A_203 = arith.cmpi eq, %iota3A, %eq3A_202 : vector<512x3328xi32>
    %convert_element_type3A_204 = arith.extui %eq3A_203 : vector<512x3328xi1> to vector<512x3328xi32>
    %convert_element_type3A_205 = arith.sitofp %convert_element_type3A_204 : vector<512x3328xi32> to vector<512x3328xf32>
    %add3A_206 = arith.addf %add3A_200, %convert_element_type3A_205 : vector<512x3328xf32>
    %select_n3A_207 = arith.select %eq3A_181, %broadcast_in_dim3A_178, %broadcast_in_dim3A_162 : vector<512x1xi1>, vector<512x1xi32>
    %eq3A_208 = vector.broadcast %select_n3A_207 : vector<512x1xi32> to vector<512x3328xi32>
    %eq3A_209 = arith.cmpi eq, %iota3A, %eq3A_208 : vector<512x3328xi32>
    %convert_element_type3A_210 = arith.extui %eq3A_209 : vector<512x3328xi1> to vector<512x3328xi32>
    %convert_element_type3A_211 = arith.sitofp %convert_element_type3A_210 : vector<512x3328xi32> to vector<512x3328xf32>
    %add3A_212 = arith.addf %add3A_206, %convert_element_type3A_211 : vector<512x3328xf32>
    %dot_general3A_213 = arith.constant dense<0.000000e+00> : vector<512x16xf32>
    %dot_general3A_214 = tpu.matmul %add3A_212, %max3A_32, %dot_general3A_213 {dimension_numbers = #tpu.dot_dimension_numbers<[1], [0], [0], [1], [0, 0, 1, 1], [], []>, transpose_lhs_hint = false} : vector<512x3328xf32>, vector<3328x16xf32>, vector<512x16xf32> -> vector<512x16xf32>
    %div3A_215 = arith.constant 5.000000e+00 : f32
    %div3A_216 = vector.broadcast %div3A_215 : f32 to vector<512x16xf32>
    %div3A_217 = arith.divf %dot_general3A_214, %div3A_216 : vector<512x16xf32>
    %get3A_218 = arith.constant 0 : index
    %get3A_219 = arith.constant 0 : index
    %get3A_220 = vector.load %arg13[%get3A_218, %get3A_219] : memref<1x16xf32, #tpu.memory_space<vmem>>, vector<1x16xf32>
    %get3A_221 = arith.constant 0 : index
    %get3A_222 = arith.constant 0 : index
    %get3A_223 = vector.load %arg12[%get3A_221, %get3A_222] : memref<16x16xf32, #tpu.memory_space<vmem>>, vector<16x16xf32>
    %dot_general3A_224 = arith.constant dense<0.000000e+00> : vector<512x16xf32>
    %dot_general3A_225 = tpu.matmul %max3A_69, %get3A_223, %dot_general3A_224 {dimension_numbers = #tpu.dot_dimension_numbers<[1], [0], [0], [1], [0, 0, 1, 1], [], []>, transpose_lhs_hint = false} : vector<512x16xf32>, vector<16x16xf32>, vector<512x16xf32> -> vector<512x16xf32>
    %add3A_226 = vector.broadcast %get3A_220 : vector<1x16xf32> to vector<512x16xf32>
    %add3A_227 = arith.addf %add3A_226, %dot_general3A_225 : vector<512x16xf32>
    %max3A_228 = arith.constant 0.000000e+00 : f32
    %max3A_229 = vector.broadcast %max3A_228 : f32 to vector<512x16xf32>
    %max3A_230 = arith.maximumf %add3A_227, %max3A_229 : vector<512x16xf32>
    %get3A_231 = arith.constant 0 : index
    %get3A_232 = arith.constant 0 : index
    %get3A_233 = vector.load %arg14[%get3A_231, %get3A_232] : memref<16x16xf32, #tpu.memory_space<vmem>>, vector<16x16xf32>
    %dot_general3A_234 = arith.constant dense<0.000000e+00> : vector<512x16xf32>
    %dot_general3A_235 = tpu.matmul %div3A_217, %get3A_233, %dot_general3A_234 {dimension_numbers = #tpu.dot_dimension_numbers<[1], [0], [0], [1], [0, 0, 1, 1], [], []>, transpose_lhs_hint = false} : vector<512x16xf32>, vector<16x16xf32>, vector<512x16xf32> -> vector<512x16xf32>
    %get3A_236 = arith.constant 0 : index
    %get3A_237 = arith.constant 0 : index
    %get3A_238 = vector.load %arg15[%get3A_236, %get3A_237] : memref<1x16xf32, #tpu.memory_space<vmem>>, vector<1x16xf32>
    %add3A_239 = vector.broadcast %get3A_238 : vector<1x16xf32> to vector<512x16xf32>
    %add3A_240 = arith.addf %dot_general3A_235, %add3A_239 : vector<512x16xf32>
    %get3A_241 = arith.constant 0 : index
    %get3A_242 = arith.constant 0 : index
    %get3A_243 = vector.load %arg16[%get3A_241, %get3A_242] : memref<16x16xf32, #tpu.memory_space<vmem>>, vector<16x16xf32>
    %dot_general3A_244 = arith.constant dense<0.000000e+00> : vector<512x16xf32>
    %dot_general3A_245 = tpu.matmul %max3A_230, %get3A_243, %dot_general3A_244 {dimension_numbers = #tpu.dot_dimension_numbers<[1], [0], [0], [1], [0, 0, 1, 1], [], []>, transpose_lhs_hint = false} : vector<512x16xf32>, vector<16x16xf32>, vector<512x16xf32> -> vector<512x16xf32>
    %add3A_246 = arith.addf %add3A_240, %dot_general3A_245 : vector<512x16xf32>
    %get3A_247 = arith.constant 0 : index
    %get3A_248 = arith.constant 0 : index
    %get3A_249 = vector.load %arg17[%get3A_247, %get3A_248] : memref<16x8xf32, #tpu.memory_space<vmem>>, vector<16x8xf32>
    %dot_general3A_250 = arith.constant dense<0.000000e+00> : vector<512x8xf32>
    %dot_general3A_251 = tpu.matmul %add3A_246, %get3A_249, %dot_general3A_250 {dimension_numbers = #tpu.dot_dimension_numbers<[1], [0], [0], [1], [0, 0, 1, 1], [], []>, transpose_lhs_hint = false} : vector<512x16xf32>, vector<16x8xf32>, vector<512x8xf32> -> vector<512x8xf32>
    %get3A_252 = arith.constant 0 : index
    %get3A_253 = arith.constant 0 : index
    %get3A_254 = vector.load %arg18[%get3A_252, %get3A_253] : memref<1x8xf32, #tpu.memory_space<vmem>>, vector<1x8xf32>
    %add3A_255 = vector.broadcast %get3A_254 : vector<1x8xf32> to vector<512x8xf32>
    %add3A_256 = arith.addf %dot_general3A_251, %add3A_255 : vector<512x8xf32>
    %reduce_max3A_257 = arith.constant dense<0xFF800000> : vector<512xf32>
    %reduce_max3A_258 = vector.multi_reduction <maximumf>, %add3A_256, %reduce_max3A_257 [1] : vector<512x8xf32> to vector<512xf32>
    %broadcast_in_dim3A_259 = vector.shape_cast %reduce_max3A_258 : vector<512xf32> to vector<512x1xf32>
    %sub3A = vector.broadcast %broadcast_in_dim3A_259 : vector<512x1xf32> to vector<512x8xf32>
    %sub3A_260 = arith.subf %add3A_256, %sub3A : vector<512x8xf32>
    %exp3A = math.exp %sub3A_260 : vector<512x8xf32>
    %reduce_sum3A_261 = arith.constant dense<0.000000e+00> : vector<512xf32>
    %reduce_sum3A_262 = vector.multi_reduction <add>, %exp3A, %reduce_sum3A_261 [1] : vector<512x8xf32> to vector<512xf32>
    %broadcast_in_dim3A_263 = vector.shape_cast %reduce_sum3A_262 : vector<512xf32> to vector<512x1xf32>
    %div3A_264 = vector.broadcast %broadcast_in_dim3A_263 : vector<512x1xf32> to vector<512x8xf32>
    %div3A_265 = arith.divf %exp3A, %div3A_264 : vector<512x8xf32>
    %swap3A = arith.constant 0 : index
    %swap3A_266 = arith.constant 0 : index
    %swap3A_267 = vector.load %arg19[%swap3A, %swap3A_266] : memref<512x8xf32, #tpu.memory_space<vmem>>, vector<512x8xf32>
    tpu.vector_store %arg19[%swap3A, %swap3A_266], %div3A_265 {strides = array<i32>} : memref<512x8xf32, #tpu.memory_space<vmem>>, vector<512x8xf32>,
    return
  }
  func.func @transform_0(%arg0: i32) -> (i32, i32) {
    %c0_i32 = arith.constant 0 : i32
    %c0_i32_0 = arith.constant 0 : i32
    return %arg0, %c0_i32 : i32, i32
  }
  func.func @transform_1(%arg0: i32) -> (i32, i32) {
    %c0_i32 = arith.constant 0 : i32
    %c0_i32_0 = arith.constant 0 : i32
    %c0_i32_1 = arith.constant 0 : i32
    return %c0_i32, %c0_i32_0 : i32, i32
  }
  func.func @transform_2(%arg0: i32) -> (i32, i32) {
    %c0_i32 = arith.constant 0 : i32
    %c0_i32_0 = arith.constant 0 : i32
    %c0_i32_1 = arith.constant 0 : i32
    return %c0_i32, %c0_i32_0 : i32, i32
  }
  func.func @transform_3(%arg0: i32) -> (i32, i32) {
    %c0_i32 = arith.constant 0 : i32
    %c0_i32_0 = arith.constant 0 : i32
    %c0_i32_1 = arith.constant 0 : i32
    return %c0_i32, %c0_i32_0 : i32, i32
  }
  func.func @transform_4(%arg0: i32) -> (i32, i32) {
    %c0_i32 = arith.constant 0 : i32
    %c0_i32_0 = arith.constant 0 : i32
    %c0_i32_1 = arith.constant 0 : i32
    return %c0_i32, %c0_i32_0 : i32, i32
  }
  func.func @transform_5(%arg0: i32) -> (i32, i32) {
    %c0_i32 = arith.constant 0 : i32
    %c0_i32_0 = arith.constant 0 : i32
    %c0_i32_1 = arith.constant 0 : i32
    return %c0_i32, %c0_i32_0 : i32, i32
  }
  func.func @transform_6(%arg0: i32) -> (i32, i32) {
    %c0_i32 = arith.constant 0 : i32
    %c0_i32_0 = arith.constant 0 : i32
    %c0_i32_1 = arith.constant 0 : i32
    return %c0_i32, %c0_i32_0 : i32, i32
  }
  func.func @transform_7(%arg0: i32) -> (i32, i32, i32) {
    %c0_i32 = arith.constant 0 : i32
    %c0_i32_0 = arith.constant 0 : i32
    %c0_i32_1 = arith.constant 0 : i32
    %c0_i32_2 = arith.constant 0 : i32
    return %c0_i32, %c0_i32_0, %c0_i32_1 : i32, i32, i32
  }
  func.func @transform_8(%arg0: i32) -> (i32, i32) {
    %c0_i32 = arith.constant 0 : i32
    %c0_i32_0 = arith.constant 0 : i32
    %c0_i32_1 = arith.constant 0 : i32
    return %c0_i32, %c0_i32_0 : i32, i32
  }
  func.func @transform_9(%arg0: i32) -> (i32, i32) {
    %c0_i32 = arith.constant 0 : i32
    %c0_i32_0 = arith.constant 0 : i32
    %c0_i32_1 = arith.constant 0 : i32
    return %c0_i32, %c0_i32_0 : i32, i32
  }
  func.func @transform_10(%arg0: i32) -> (i32, i32) {
    %c0_i32 = arith.constant 0 : i32
    %c0_i32_0 = arith.constant 0 : i32
    %c0_i32_1 = arith.constant 0 : i32
    return %c0_i32, %c0_i32_0 : i32, i32
  }
  func.func @transform_11(%arg0: i32) -> (i32, i32) {
    %c0_i32 = arith.constant 0 : i32
    %c0_i32_0 = arith.constant 0 : i32
    %c0_i32_1 = arith.constant 0 : i32
    return %c0_i32, %c0_i32_0 : i32, i32
  }
  func.func @transform_12(%arg0: i32) -> (i32, i32) {
    %c0_i32 = arith.constant 0 : i32
    %c0_i32_0 = arith.constant 0 : i32
    %c0_i32_1 = arith.constant 0 : i32
    return %c0_i32, %c0_i32_0 : i32, i32
  }
  func.func @transform_13(%arg0: i32) -> (i32, i32) {
    %c0_i32 = arith.constant 0 : i32
    %c0_i32_0 = arith.constant 0 : i32
    %c0_i32_1 = arith.constant 0 : i32
    return %c0_i32, %c0_i32_0 : i32, i32
  }
  func.func @transform_14(%arg0: i32) -> (i32, i32) {
    %c0_i32 = arith.constant 0 : i32
    %c0_i32_0 = arith.constant 0 : i32
    %c0_i32_1 = arith.constant 0 : i32
    return %c0_i32, %c0_i32_0 : i32, i32
  }
  func.func @transform_15(%arg0: i32) -> (i32, i32) {
    %c0_i32 = arith.constant 0 : i32
    %c0_i32_0 = arith.constant 0 : i32
    %c0_i32_1 = arith.constant 0 : i32
    return %c0_i32, %c0_i32_0 : i32, i32
  }
  func.func @transform_16(%arg0: i32) -> (i32, i32) {
    %c0_i32 = arith.constant 0 : i32
    %c0_i32_0 = arith.constant 0 : i32
    %c0_i32_1 = arith.constant 0 : i32
    return %c0_i32, %c0_i32_0 : i32, i32
  }
  func.func @transform_17(%arg0: i32) -> (i32, i32) {
    %c0_i32 = arith.constant 0 : i32
    %c0_i32_0 = arith.constant 0 : i32
    %c0_i32_1 = arith.constant 0 : i32
    return %c0_i32, %c0_i32_0 : i32, i32
  }
  func.func @transform_18(%arg0: i32) -> (i32, i32) {
    %c0_i32 = arith.constant 0 : i32
    %c0_i32_0 = arith.constant 0 : i32
    return %arg0, %c0_i32 : i32, i32
  }
}

</mosaic_0001>

<sc_bundles>
// kernel: kernel.4.cloned.1.call-start
scs
__scs_entry_jumppad:
0x0: {  	(pc) =	sbr.rel $0x88, $3  }
0x1: {  	(tag) =	ssettag $0x0;
	lr =	simm.s32 $0x1  }
0x2: {  	[smem:$0x3F91] =	sst lr;
	_ =	strace $0xD0000000  }
0x3: {  	_ = 	snop  }
0x4: {  	_ = 	snop  }
0x5: {  	_ = 	snop  }
0x6: {  	_ = 	snop  }
0x7: {  	_ = 	snop  }
__scs_overlays_trampoline_lowered:
0x8: {  	[smem:$0x3FA0] =	sst s0  }
0x9: {  	[smem:$0x3FA1] =	sst s1  }
0xa: {  	[smem:$0x3FA2] =	sst s2  }
0xb: {  	[smem:$0x3FA3] =	sst s3  }
0xc: {  	[smem:$0x3FA4] =	sst s4  }
0xd: {  	[smem:$0x3FA5] =	sst s5  }
0xe: {  	[smem:$0x3FA6] =	sst s6  }
0xf: {  	[smem:$0x3FA7] =	sst s7  }
0x10: {  	[smem:$0x3FA8] =	sst s8  }
0x11: {  	[smem:$0x3FA9] =	sst s9;
	s0 =	simm.s32 @!p0 $0x0  }
0x12: {  	s1 =	sld [smem:$0x3F8F];
	s0 =	simm.s32 @p0 $0x1  }
0x13: {  	[smem:$0x3FAA] =	sst s0;
	s0 =	simm.s32 @!p1 $0x0  }
0x14: {  	s2 =	sld [smem:$0x3F8E];
	s0 =	simm.s32 @p1 $0x1  }
0x15: {  	[smem:$0x3FAB] =	sst s0;
	s0 =	simm.s32 @!p2 $0x0  }
0x16: {  	s3 =	sld [smem:$0x3FDB];
	s0 =	simm.s32 @p2 $0x1  }
0x17: {  	s4 =	simm.s32 $0x1BF5;
	[smem:$0x3FAD] =	sst s0  }
0x18: {  	s0 =	sld [smem:$0x3F90];
	_ =	swait.ge [sflag:s4], $0x0  }
0x19: {  	s7 =	sld [smem:$0x3F91]  }
0x1a: {  	s8 =	sadd.s32 $0xFFFFE003, lr  }
0x1b: {  	s9 =	sadd.s32 $0xFFFFFEF7, lr;
	s5 =	simm.s32 $0xFFFFFFFF;
	p2 =	slt.u32 s8, $0xFFFFF086  }
0x1c: {  	p1 =	slt.u32 s9, $0xF7A;
	s5 =	simm.s32 @!p2 $0x0  }
0x1d: {  	s5 =	simm.s32 @p1 $0x1;
	p0 =	seq.s32 s7, s2  }
0x1e: {  	s7 =	smul.u32 @!p0 $0xF7A, s2;
	p2 =	seq.s32 @!p0 s5, $0x0  }
0x1f: {  	s9 =	smul.u32 $0xF7A, s1;
	s8 =	simm.s32 @!p0 $0x1BF5;
	p2 =	por !p2, p0  }
0x20: {  	[sflag:s8] =	ssyncset.s32 @!p0 $0xFFFFF086;
	s6 =	sadd.s32 @!p0 s3, s7;
	s7 =	simm.s32 @!p0 $0x108  }
0x21: {  	s3 =	sadd.s32 s3, s9;
	s6 =	sadd.s32 @!p0 $0x88, s6;
	s7 =	simm.s32 @p2 $0x1082  }
0x22: {  	[simem:s7], [sflag:s8] =	dma.local @!p0 [hbm:s6], $0xF7A  }
0x23: {  	s9 =	sor.u32 $0xD0000000, s2;
	s6 =	simm.s32 $0x108;
	_ =	swait.ge @!p0 [sflag:s8], $0x0  }
0x24: {  	s3 =	sadd.s32 $0x88, s3;
	s6 =	simm.s32 @!p1 $0x1082;
	[sflag:s4] =	ssyncset.s32 $0xFFFFF086  }
0x25: {  	[simem:s6], [sflag:s4] =	dma.local [hbm:s3], $0xF7A  }
0x26: {  	[smem:$0x3F91] =	sst s1;
	(tag) =	ssettag s2;
	_ =	strace s9  }
0x27: {  	s1 =	sld [smem:$0x3FA1]  }
0x28: {  	s2 =	sld [smem:$0x3FA2]  }
0x29: {  	s4 =	sld [smem:$0x3FA4]  }
0x2a: {  	p0 =	seq.s32 s5, $0x0;
	s5 =	sld [smem:$0x3FA5]  }
0x2b: {  	s6 =	sld [smem:$0x3FA6]  }
0x2c: {  	s7 =	sld [smem:$0x3FA7]  }
0x2d: {  	s3 =	simm.s32 $0x108;
	s8 =	sld [smem:$0x3FA8]  }
0x2e: {  	s3 =	simm.s32 @!p0 $0x1082;
	s9 =	sld [smem:$0x3FA9]  }
0x2f: {  	lr =	sadd.s32 s0, s3;
	s0 =	sld [smem:$0x3FA0]  }
0x30: {  	s3 =	sld [smem:$0x3FA3]  }
0x31: {  	[smem:$0x3FAC] =	sst s10  }
0x32: {  	s10 =	sld [smem:$0x3FAA];
	_ =	sdelay $0x3  }
0x33: {  	p0 =	seq.s32 s10, $0x1;
	s10 =	sld [smem:$0x3FAC];
	_ =	sdelay $0x3  }
0x34: {  	[smem:$0x3FAC] =	sst s10  }
0x35: {  	s10 =	sld [smem:$0x3FAB];
	_ =	sdelay $0x3  }
0x36: {  	p1 =	seq.s32 s10, $0x1;
	s10 =	sld [smem:$0x3FAC];
	_ =	sdelay $0x3  }
0x37: {  	[smem:$0x3FAC] =	sst s10  }
0x38: {  	s10 =	sld [smem:$0x3FAD]  }
0x39: {  	_ = 	snop;
	(pc) =	sbr.ind lr, $3  }
0x3a: {  	_ = 	snop  }
0x3b: {  	_ = 	snop  }
0x3c: {  	p2 =	seq.s32 s10, $0x1;
	s10 =	sld [smem:$0x3FAC]  }
0x3d: {  	_ =	shalt  }
0x3e: {  	_ =	shalt  }
0x3f: {  	_ =	shalt  }
0x40: {  	_ =	shalt  }
0x41: {  	_ =	shalt  }
0x42: {  	_ =	shalt  }
0x43: {  	_ =	shalt  }
0x44: {  	_ =	shalt  }
0x45: {  	_ =	shalt  }
0x46: {  	_ =	shalt  }
0x47: {  	_ =	shalt  }
0x48: {  	_ =	shalt  }
0x49: {  	_ =	shalt  }
0x4a: {  	_ =	shalt  }
0x4b: {  	_ =	shalt  }
0x4c: {  	_ =	shalt  }
0x4d: {  	_ =	shalt  }
0x4e: {  	_ =	shalt  }
0x4f: {  	_ =	shalt  }
0x50: {  	_ =	shalt  }
0x51: {  	_ =	shalt  }
0x52: {  	_ =	shalt  }
0x53: {  	_ =	shalt  }
0x54: {  	_ =	shalt  }
0x55: {  	_ =	shalt  }
0x56: {  	_ =	shalt  }
0x57: {  	_ =	shalt  }
0x58: {  	_ =	shalt  }
0x59: {  	_ =	shalt  }
0x5a: {  	_ =	shalt  }
0x5b: {  	_ =	shalt  }
0x5c: {  	_ =	shalt  }
0x5d: {  	_ =	shalt  }
0x5e: {  	_ =	shalt  }
0x5f: {  	_ =	shalt  }
0x60: {  	_ =	shalt  }
0x61: {  	_ =	shalt  }
0x62: {  	_ =	shalt  }
0x63: {  	_ =	shalt  }
0x64: {  	_ =	shalt  }
0x65: {  	_ =	shalt  }
0x66: {  	_ =	shalt  }
0x67: {  	_ =	shalt  }
0x68: {  	_ =	shalt  }
0x69: {  	_ =	shalt  }
0x6a: {  	_ =	shalt  }
0x6b: {  	_ =	shalt  }
0x6c: {  	_ =	shalt  }
0x6d: {  	_ =	shalt  }
0x6e: {  	_ =	shalt  }
0x6f: {  	_ =	shalt  }
0x70: {  	_ =	shalt  }
0x71: {  	_ =	shalt  }
0x72: {  	_ =	shalt  }
0x73: {  	_ =	shalt  }
0x74: {  	_ =	shalt  }
0x75: {  	_ =	shalt  }
0x76: {  	_ =	shalt  }
0x77: {  	_ =	shalt  }
0x78: {  	_ =	shalt  }
0x79: {  	_ =	shalt  }
0x7a: {  	_ =	shalt  }
0x7b: {  	_ =	shalt  }
0x7c: {  	_ =	shalt  }
0x7d: {  	_ =	shalt  }
0x7e: {  	_ =	shalt  }
0x7f: {  	_ =	shalt  }
0x80: {  	_ =	shalt  }
0x81: {  	_ =	shalt  }
0x82: {  	_ =	shalt  }
0x83: {  	_ =	shalt  }
0x84: {  	_ =	shalt  }
0x85: {  	_ =	shalt  }
0x86: {  	_ =	shalt  }
0x87: {  	_ =	shalt  }
.Lfunc_end0:
.L_simem_size_0:
called_computation_lowered:
.L_overlay_start_0:
0x88: {  	s2 =	sld [smem:$0x3FD9]  }
0x89: {  	s3 =	sld [smem:$0x3FFE];
	_ =	sdelay $0x1  }
0x8a: {  	s1 =	srdreg.scid  }
0x8b: {  	s0 =	sand.u32 $0x1, s1  }
0x8c: {  	s16 =	sshll.u32 s0, $0xA;
	s2 =	sadd.s32 s3, s2  }
0x8d: {  	s2 =	sadd.s32 s2, s16  }
0x8e: {  	[smem:$0x3FB8] =	sst s2  }
0x8f: {  	_ = 	snop  }
0x90: {  	(tm) =	ssettm $0x1  }
0x91: {  	s17 =	sld [smem:$0x3FFB];
	_ =	sdelay $0x3  }
0x92: {  	_ =	strace s17  }
0x93: {  	s2 =	sld [smem:$0x3FFC];
	_ =	sdelay $0x3  }
0x94: {  	_ =	strace s2  }
0x95: {  	s2 =	sld [smem:$0x3FFD];
	_ =	sdelay $0x3  }
0x96: {  	_ =	strace s2  }
0x97: {  	_ =	strace $0x8FFFFFFF  }
0x98: {  	s18 =	sld [smem:$0x3FDB];
	_ =	sdelay $0x1  }
0x99: {  	s19 =	simm.s32 $_scs_section_size  }
0x9a: {  	s4 =	simm.s32 $_size__tile_overlayer_lowered;
	s5 =	simm.s32 $_tile_overlayer_lowered  }
0x9b: {  	s22 =	simm.s32 $0x1BFF;
	s21 =	sshll.u32 s5, $0x1;
	s2 =	sadd.s32 s19, s18  }
0x9c: {  	s6 =	simm.s32 $0x0;
	s20 =	sshll.u32 s4, $0x1;
	s4 =	sadd.s32 s21, s2  }
0x9d: {  	[timem:s6], [sflag:s22] =	dma.local [hbm:s4], s20  }
0x9e: {  	_ =	swait.ge [sflag:s22], s20  }
0x9f: {  	s3 =	ssub.s32 $0x0, s20;
	[sflag:s22] =	ssyncset.done $0x0  }
0xa0: {  	[sflag:s22] =	ssyncadd.s32 s3;
	_ =	sdelay $0x1  }
0xa1: {  	s23 =	simm.s32 $0x1B8B  }
0xa2: {  	_ =	swait.ge [sflag:s23], $0x1  }
0xa3: {  	[sflag:s23] =	ssyncset.done $0x0  }
0xa4: {  	s25 =	simm.s32 $0x1B8E;
	s24 =	sld [smem:$0x3FFE];
	[sflag:s23] =	ssyncadd.s32 $0xFFFFFFFF  }
0xa5: {  	s26 =	simm.s32 $execute0_lowered;
	[smem:$0x3FD2] =	sst s25  }
0xa6: {  	s4 =	sshll.u32 s26, $0x1;
	_ =	strace $0x80000046;
	[dreg:$0x1] =	wrdreg $0xFFFFFFFF  }
0xa7: {  	s28 =	simm.s32 $_size_execute0_lowered;
	s2 =	sadd.s32 s2, s4;
	[dreg:$0x0] =	wrdreg $0x0  }
0xa8: {  	s4 =	sshll.u32 s28, $0x1;
	[dreg:$0x2] =	wrdreg s2  }
0xa9: {  	[dreg:$0x3] =	wrdreg s4  }
0xaa: {  	[dreg:$0x4] =	wrdreg $0xC0  }
0xab: {  	_ =	task [dreg:s6], $0x5FFFF  }
0xac: {  	[dreg:$0x1] =	wrdreg $0xFFFFFFFF  }
0xad: {  	[dreg:$0x0] =	wrdreg $0x60  }
0xae: {  	[dreg:$0x2] =	wrdreg s24  }
0xaf: {  	[dreg:$0x3] =	wrdreg $0x50000  }
0xb0: {  	[dreg:$0x4] =	wrdreg $0x9  }
0xb1: {  	_ =	task.clear_ibuf [dreg:s6], $0x5FFFF;
	_ =	strace $0x90000046  }
0xb2: {  	s29 =	simm.s32 $0x9;
	_ =	strace $0x80000048  }
0xb3: {  	_ =	swait.ge [sflag:s29], $0x1  }
0xb4: {  	[sflag:s29] =	ssyncadd.s32 $0xFFFFFFFF  }
0xb5: {  	_ =	strace $0x90000048  }
0xb6: {  	_ =	sfence  }
0xb7: {  	s30 =	sld [smem:$0x0];
	_ =	sdelay $0x2  }
0xb8: {  	s31 =	sshll.u32 s1, $0xD;
	s1 =	sshrl.u32 s1, $0x2  }
0xb9: {  	s3 =	sand.u32 $0x4000, s31;
	s1 =	sadd.s32 s1, s30  }
0xba: {  	s0 =	sor.u32 s3, s0;
	s1 =	sshll.u32 s1, $0x11  }
0xbb: {  	s0 =	sor.u32 s1, s0  }
0xbc: {  	s0 =	sadd.s32 $0x8F2B, s0  }
0xbd: {  	[sflag:s0] =	ssyncadd.remote.s32 $0x1  }
0xbe: {  	_ =	sfence.sel $0xFFFF  }
0xbf: {  	[dreg:$0x0] =	wrdreg $0xFFFFFFFF;
	(pc) =	sbr.abs _section_cstart, $3  }
0xc0: {  	[dreg:$0x1] =	wrdreg $0xFFFFFFFF  }
0xc1: {  	_ =	task.clear_ibuf [dreg:s6], $0x2FFFF;
	_ =	strace $0x9FFFFFFF  }
0xc2: {  	(tm) =	ssettm $0x7FFFFFFF  }
0xc3: {  	_ =	shalt  }
tec
execute0_lowered:
.L_overlay_start_1:
0x0: {  	(tag) =	ssettag $0x1  }
0x1: {  	s8 =	rddreg [dreg:$0x0]  }
0x2: {  	s1 =	rddreg [dreg:$0x1]  }
0x3: {  	s3 =	srdreg.scid;
	s2 =	simm.s32 $0x0;
	s4 =	stileid.u32  }
0x4: {  	s18 =	simm.s32 $0x880;
	[smem:$0x7FF] =	sst s2;
	s15 =	sadd.s32 $0x12600, s8  }
0x5: {  	s19 =	simm.s32 $0x100;
	_ =	strace $0x80000047;
	[dreg:$0x3] =	wrdreg s15  }
0x6: {  	s20 =	simm.s32 $0x900;
	s21 =	simm.s32 $0x180;
	[dreg:$0x7] =	wrdreg s18  }
0x7: {  	s31 =	sand.u32 $0x1, s3;
	s14 =	sshll.u32 s4, $0x9;
	[dreg:$0x8] =	wrdreg s19  }
0x8: {  	s5 =	sshll.u32 s31, $0x8;
	s6 =	smul.u32 $0xD000, s31;
	[dreg:$0x9] =	wrdreg s20  }
0x9: {  	s22 =	simm.s32 $0x980;
	[dreg:$0xa] =	wrdreg s21;
	s3 =	sor.u32 s5, s14  }
0xa: {  	[dreg:$0xb] =	wrdreg s22;
	s3 =	sadd.s32 s3, s8;
	s6 =	sadd.s32 s6, s8  }
0xb: {  	s16 =	sadd.s32 $0x1600, s3;
	s17 =	sadd.s32 $0x1F600, s6;
	s6 =	rddreg [dreg:$0x3]  }
0xc: {  	p0 =	sne.s32 s4, $0x0;
	s3 =	sadd.s32 $0x3600, s3;
	[dreg:$0x4] =	wrdreg s16  }
0xd: {  	s4 =	sshrl.u32 @!p0 s1, $0x3;
	[dreg:$0x5] =	wrdreg s3  }
0xe: {  	s5 =	simm.s32 @!p0 $0x1C02;
	[dreg:$0x6] =	wrdreg s17;
	s3 =	simm.s32 @!p0 $0x2  }
0xf: {  	[spmem:s4], [sflag:s5] =	dma.local @!p0 [hbm:s6], $0xD000  }
0x10: {  	_ =	swait.ge @!p0 [sflag:s3], $0xD000  }
0x11: {  	[sflag:s3] =	ssyncset.done @!p0 $0x0  }
0x12: {  	[sflag:s3] =	ssyncadd.s32 @!p0 $0xFFFF3000  }
0x13: {  	[bflag:$0x0] =	sbarrier.arrive $0xFFFF  }
0x14: {  	s6 =	simm.s32 $0x2;
	s7 =	rddreg [dreg:$0x4]  }
0x15: {  	[tilespmem:s2], [sflag:$0x2] =	stream.linear.gather [hbm4b:s7+s2], $0x680, $0x38;
	[tilespmem:$0xB800] =	vst v63  }
0x16: {  	_ =	swait.ge [sflag:s6], $0x680  }
0x17: {  	[sflag:s6] =	ssyncset.done $0x0  }
0x18: {  	s7 =	simm.s32 $0x800;
	s9 =	rddreg [dreg:$0x5];
	[sflag:s6] =	ssyncadd.s32 $0xFFFFF980  }
0x19: {  	[tilespmem:s7], [sflag:$0x2] =	stream.linear.gather [hbm4b:s9+s2], $0x680, $0x38;
	[tilespmem:$0xB800] =	vst v63  }
0x1a: {  	_ =	swait.ge [sflag:s6], $0x680  }
0x1b: {  	s10 =	simm.s32 $0x1000;
	s11 =	simm.s32 $0x1;
	[sflag:s6] =	ssyncset.done $0x0  }
0x1c: {  	s8 =	sadd.s32 $0x5600, s8;
	s9 =	simm.s32 $0x80;
	[sflag:s6] =	ssyncadd.s32 $0xFFFFF980  }
0x1d: {  	[tilespmem:s10], [sflag:$0x1] =	stream.indirect.gather [hbm4b:s8+s9], $0x80, s2, s9, $0xb8;
	[tilespmem:$0xB800] =	vst v63  }
0x1e: {  	_ =	swait.ge [sflag:s11], $0x4000  }
0x1f: {  	[sflag:s11] =	ssyncset.done $0x0  }
0x20: {  	[sflag:s11] =	ssyncadd.s32 $0xFFFFC000  }
0x21: {  	[spmem:s1] =	stream.indirect.scatter.add.f32 [tilespmem:s10], [sflag:$0x2], $0x80, s7, s9, $0xb8;
	[tilespmem:$0xB800] =	vst v63  }
0x22: {  	_ =	swait.ge [sflag:s6], $0x4000  }
0x23: {  	[sflag:s6] =	ssyncset.done $0x0  }
0x24: {  	[sflag:s6] =	ssyncadd.s32 $0xFFFFC000  }
0x25: {  	[tilespmem:s10], [sflag:$0x1] =	stream.indirect.gather [hbm4b:s8+s9], $0x80, s9, s9, $0xb8;
	[tilespmem:$0xB800] =	vst v63  }
0x26: {  	_ =	swait.ge [sflag:s11], $0x4000  }
0x27: {  	[sflag:s11] =	ssyncset.done $0x0  }
0x28: {  	s12 =	rddreg [dreg:$0x7];
	[sflag:s11] =	ssyncadd.s32 $0xFFFFC000  }
0x29: {  	[spmem:s1] =	stream.indirect.scatter.add.f32 [tilespmem:s10], [sflag:$0x2], $0x80, s12, s9, $0xb8;
	[tilespmem:$0xB800] =	vst v63  }
0x2a: {  	_ =	swait.ge [sflag:s6], $0x4000  }
0x2b: {  	[sflag:s6] =	ssyncset.done $0x0  }
0x2c: {  	s23 =	rddreg [dreg:$0x8];
	[sflag:s6] =	ssyncadd.s32 $0xFFFFC000  }
0x2d: {  	[tilespmem:s10], [sflag:$0x1] =	stream.indirect.gather [hbm4b:s8+s9], $0x80, s23, s9, $0xb8;
	[tilespmem:$0xB800] =	vst v63  }
0x2e: {  	_ =	swait.ge [sflag:s11], $0x4000  }
0x2f: {  	[sflag:s11] =	ssyncset.done $0x0  }
0x30: {  	s24 =	rddreg [dreg:$0x9];
	[sflag:s11] =	ssyncadd.s32 $0xFFFFC000  }
0x31: {  	[spmem:s1] =	stream.indirect.scatter.add.f32 [tilespmem:s10], [sflag:$0x2], $0x80, s24, s9, $0xb8;
	[tilespmem:$0xB800] =	vst v63  }
0x32: {  	_ =	swait.ge [sflag:s6], $0x4000  }
0x33: {  	[sflag:s6] =	ssyncset.done $0x0  }
0x34: {  	s25 =	rddreg [dreg:$0xa];
	[sflag:s6] =	ssyncadd.s32 $0xFFFFC000  }
0x35: {  	[tilespmem:s10], [sflag:$0x1] =	stream.indirect.gather [hbm4b:s8+s9], $0x80, s25, s9, $0xb8;
	[tilespmem:$0xB800] =	vst v63  }
0x36: {  	_ =	swait.ge [sflag:s11], $0x4000  }
0x37: {  	[sflag:s11] =	ssyncset.done $0x0  }
0x38: {  	s26 =	rddreg [dreg:$0xb];
	[sflag:s11] =	ssyncadd.s32 $0xFFFFC000  }
0x39: {  	[spmem:s1] =	stream.indirect.scatter.add.f32 [tilespmem:s10], [sflag:$0x2], $0x80, s26, s9, $0xb8;
	[tilespmem:$0xB800] =	vst v63  }
0x3a: {  	_ =	swait.ge [sflag:s6], $0x4000  }
0x3b: {  	[sflag:s6] =	ssyncset.done $0x0  }
0x3c: {  	s12 =	simm.s32 $0x200;
	[sflag:s6] =	ssyncadd.s32 $0xFFFFC000  }
0x3d: {  	[tilespmem:s10], [sflag:$0x1] =	stream.indirect.gather [hbm4b:s8+s9], $0x80, s12, s9, $0xb8;
	[tilespmem:$0xB800] =	vst v63  }
0x3e: {  	_ =	swait.ge [sflag:s11], $0x4000  }
0x3f: {  	[sflag:s11] =	ssyncset.done $0x0  }
0x40: {  	s13 =	simm.s32 $0xA00;
	[sflag:s11] =	ssyncadd.s32 $0xFFFFC000  }
0x41: {  	[spmem:s1] =	stream.indirect.scatter.add.f32 [tilespmem:s10], [sflag:$0x2], $0x80, s13, s9, $0xb8;
	[tilespmem:$0xB800] =	vst v63  }
0x42: {  	_ =	swait.ge [sflag:s6], $0x4000  }
0x43: {  	[sflag:s6] =	ssyncset.done $0x0  }
0x44: {  	s14 =	simm.s32 $0x280;
	[sflag:s6] =	ssyncadd.s32 $0xFFFFC000  }
0x45: {  	[tilespmem:s10], [sflag:$0x1] =	stream.indirect.gather [hbm4b:s8+s9], $0x80, s14, s9, $0xb8;
	[tilespmem:$0xB800] =	vst v63  }
0x46: {  	_ =	swait.ge [sflag:s11], $0x4000  }
0x47: {  	[sflag:s11] =	ssyncset.done $0x0  }
0x48: {  	s15 =	simm.s32 $0xA80;
	[sflag:s11] =	ssyncadd.s32 $0xFFFFC000  }
0x49: {  	[spmem:s1] =	stream.indirect.scatter.add.f32 [tilespmem:s10], [sflag:$0x2], $0x80, s15, s9, $0xb8;
	[tilespmem:$0xB800] =	vst v63  }
0x4a: {  	_ =	swait.ge [sflag:s6], $0x4000  }
0x4b: {  	[sflag:s6] =	ssyncset.done $0x0  }
0x4c: {  	s16 =	simm.s32 $0x300;
	[sflag:s6] =	ssyncadd.s32 $0xFFFFC000  }
0x4d: {  	[tilespmem:s10], [sflag:$0x1] =	stream.indirect.gather [hbm4b:s8+s9], $0x80, s16, s9, $0xb8;
	[tilespmem:$0xB800] =	vst v63  }
0x4e: {  	_ =	swait.ge [sflag:s11], $0x4000  }
0x4f: {  	[sflag:s11] =	ssyncset.done $0x0  }
0x50: {  	s17 =	simm.s32 $0xB00;
	[sflag:s11] =	ssyncadd.s32 $0xFFFFC000  }
0x51: {  	[spmem:s1] =	stream.indirect.scatter.add.f32 [tilespmem:s10], [sflag:$0x2], $0x80, s17, s9, $0xb8;
	[tilespmem:$0xB800] =	vst v63  }
0x52: {  	_ =	swait.ge [sflag:s6], $0x4000  }
0x53: {  	[sflag:s6] =	ssyncset.done $0x0  }
0x54: {  	s18 =	simm.s32 $0x380;
	[sflag:s6] =	ssyncadd.s32 $0xFFFFC000  }
0x55: {  	[tilespmem:s10], [sflag:$0x1] =	stream.indirect.gather [hbm4b:s8+s9], $0x80, s18, s9, $0xb8;
	[tilespmem:$0xB800] =	vst v63  }
0x56: {  	_ =	swait.ge [sflag:s11], $0x4000  }
0x57: {  	[sflag:s11] =	ssyncset.done $0x0  }
0x58: {  	s19 =	simm.s32 $0xB80;
	[sflag:s11] =	ssyncadd.s32 $0xFFFFC000  }
0x59: {  	[spmem:s1] =	stream.indirect.scatter.add.f32 [tilespmem:s10], [sflag:$0x2], $0x80, s19, s9, $0xb8;
	[tilespmem:$0xB800] =	vst v63  }
0x5a: {  	_ =	swait.ge [sflag:s6], $0x4000  }
0x5b: {  	[sflag:s6] =	ssyncset.done $0x0  }
0x5c: {  	s20 =	simm.s32 $0x400;
	[sflag:s6] =	ssyncadd.s32 $0xFFFFC000  }
0x5d: {  	[tilespmem:s10], [sflag:$0x1] =	stream.indirect.gather [hbm4b:s8+s9], $0x80, s20, s9, $0xb8;
	[tilespmem:$0xB800] =	vst v63  }
0x5e: {  	_ =	swait.ge [sflag:s11], $0x4000  }
0x5f: {  	[sflag:s11] =	ssyncset.done $0x0  }
0x60: {  	s21 =	simm.s32 $0xC00;
	[sflag:s11] =	ssyncadd.s32 $0xFFFFC000  }
0x61: {  	[spmem:s1] =	stream.indirect.scatter.add.f32 [tilespmem:s10], [sflag:$0x2], $0x80, s21, s9, $0xb8;
	[tilespmem:$0xB800] =	vst v63  }
0x62: {  	_ =	swait.ge [sflag:s6], $0x4000  }
0x63: {  	[sflag:s6] =	ssyncset.done $0x0  }
0x64: {  	s22 =	simm.s32 $0x480;
	[sflag:s6] =	ssyncadd.s32 $0xFFFFC000  }
0x65: {  	[tilespmem:s10], [sflag:$0x1] =	stream.indirect.gather [hbm4b:s8+s9], $0x80, s22, s9, $0xb8;
	[tilespmem:$0xB800] =	vst v63  }
0x66: {  	_ =	swait.ge [sflag:s11], $0x4000  }
0x67: {  	[sflag:s11] =	ssyncset.done $0x0  }
0x68: {  	s23 =	simm.s32 $0xC80;
	[sflag:s11] =	ssyncadd.s32 $0xFFFFC000  }
0x69: {  	[spmem:s1] =	stream.indirect.scatter.add.f32 [tilespmem:s10], [sflag:$0x2], $0x80, s23, s9, $0xb8;
	[tilespmem:$0xB800] =	vst v63  }
0x6a: {  	_ =	swait.ge [sflag:s6], $0x4000  }
0x6b: {  	[sflag:s6] =	ssyncset.done $0x0  }
0x6c: {  	s24 =	simm.s32 $0x500;
	[sflag:s6] =	ssyncadd.s32 $0xFFFFC000  }
0x6d: {  	[tilespmem:s10], [sflag:$0x1] =	stream.indirect.gather [hbm4b:s8+s9], $0x80, s24, s9, $0xb8;
	[tilespmem:$0xB800] =	vst v63  }
0x6e: {  	_ =	swait.ge [sflag:s11], $0x4000  }
0x6f: {  	[sflag:s11] =	ssyncset.done $0x0  }
0x70: {  	s25 =	simm.s32 $0xD00;
	[sflag:s11] =	ssyncadd.s32 $0xFFFFC000  }
0x71: {  	[spmem:s1] =	stream.indirect.scatter.add.f32 [tilespmem:s10], [sflag:$0x2], $0x80, s25, s9, $0xb8;
	[tilespmem:$0xB800] =	vst v63  }
0x72: {  	_ =	swait.ge [sflag:s6], $0x4000  }
0x73: {  	[sflag:s6] =	ssyncset.done $0x0  }
0x74: {  	s26 =	simm.s32 $0x580;
	[sflag:s6] =	ssyncadd.s32 $0xFFFFC000  }
0x75: {  	[tilespmem:s10], [sflag:$0x1] =	stream.indirect.gather [hbm4b:s8+s9], $0x80, s26, s9, $0xb8;
	[tilespmem:$0xB800] =	vst v63  }
0x76: {  	_ =	swait.ge [sflag:s11], $0x4000  }
0x77: {  	[sflag:s11] =	ssyncset.done $0x0  }
0x78: {  	s28 =	simm.s32 $0xD80;
	[sflag:s11] =	ssyncadd.s32 $0xFFFFC000  }
0x79: {  	[spmem:s1] =	stream.indirect.scatter.add.f32 [tilespmem:s10], [sflag:$0x2], $0x80, s28, s9, $0xb8;
	[tilespmem:$0xB800] =	vst v63  }
0x7a: {  	_ =	swait.ge [sflag:s6], $0x4000  }
0x7b: {  	[sflag:s6] =	ssyncset.done $0x0  }
0x7c: {  	s29 =	simm.s32 $0x600;
	[sflag:s6] =	ssyncadd.s32 $0xFFFFC000  }
0x7d: {  	[tilespmem:s10], [sflag:$0x1] =	stream.indirect.gather [hbm4b:s8+s9], $0x80, s29, s9, $0xb8;
	[tilespmem:$0xB800] =	vst v63  }
0x7e: {  	_ =	swait.ge [sflag:s11], $0x4000  }
0x7f: {  	[sflag:s11] =	ssyncset.done $0x0  }
0x80: {  	s30 =	simm.s32 $0xE00;
	[sflag:s11] =	ssyncadd.s32 $0xFFFFC000  }
0x81: {  	[spmem:s1] =	stream.indirect.scatter.add.f32 [tilespmem:s10], [sflag:$0x2], $0x80, s30, s9, $0xb8;
	[tilespmem:$0xB800] =	vst v63  }
0x82: {  	_ =	swait.ge [sflag:s6], $0x4000  }
0x83: {  	[sflag:s6] =	ssyncset.done $0x0  }
0x84: {  	[sflag:s6] =	ssyncadd.s32 $0xFFFFC000  }
0x85: {  	[bflag:$0x0] =	sbarrier.arrive $0xFFFF  }
0x86: {  	s31 =	ssub.s32 $0x2, s31;
	s0 =	rddreg [dreg:$0x6]  }
0x87: {  	[dreg:$0xc] =	wrdreg s0;
	s0 =	sshrl.u32 s31, $0x1  }
0x88: {  	s0 =	ssub.s32 s31, s0;
	s31 =	rddreg [dreg:$0xc]  }
0x89: {  	[hbm:s31], [sflag:s5] =	dma.local @!p0 [spmem:s4], $0xD000  }
0x8a: {  	s0 =	smax.u32 s0, $0x1  }
0x8b: {  	s31 =	sadd.s32 $0xFFFFFFFF, s0  }
0x8c: {  	p1 =	sne.s32 s31, $0x0  }
.Ltmp0:
0x8d: {  	_ = 	snop;
	(pc) =	sbr.rel @!p1 .LBB2_2-.Ltmp0, $2  }
0x8e: {  	_ =	sdelay $0x2  }
0x8f: {  	_ =	swait.ge @!p0 [sflag:s3], $0xD000  }
.LBB2_1:
0x90: {  	[sflag:s3] =	ssyncset.done @!p0 $0x0  }
0x91: {  	s0 =	rddreg [dreg:$0x3];
	[sflag:s3] =	ssyncadd.s32 @!p0 $0xFFFF3000  }
0x92: {  	[spmem:s4], [sflag:s5] =	dma.local @!p0 [hbm:s0], $0xD000  }
0x93: {  	_ =	swait.ge @!p0 [sflag:s3], $0xD000  }
0x94: {  	[sflag:s3] =	ssyncset.done @!p0 $0x0  }
0x95: {  	[sflag:s3] =	ssyncadd.s32 @!p0 $0xFFFF3000  }
0x96: {  	[bflag:$0x0] =	sbarrier.arrive $0xFFFF  }
0x97: {  	s0 =	rddreg [dreg:$0x4]  }
0x98: {  	[tilespmem:s2], [sflag:$0x2] =	stream.linear.gather [hbm4b:s0+s2], $0x680, $0x38;
	[tilespmem:$0xB800] =	vst v63  }
0x99: {  	_ =	swait.ge [sflag:s6], $0x680  }
0x9a: {  	[sflag:s6] =	ssyncset.done $0x0  }
0x9b: {  	s0 =	rddreg [dreg:$0x5];
	[sflag:s6] =	ssyncadd.s32 $0xFFFFF980  }
0x9c: {  	[tilespmem:s7], [sflag:$0x2] =	stream.linear.gather [hbm4b:s0+s2], $0x680, $0x38;
	[tilespmem:$0xB800] =	vst v63  }
0x9d: {  	_ =	swait.ge [sflag:s6], $0x680  }
0x9e: {  	[sflag:s6] =	ssyncset.done $0x0  }
0x9f: {  	[sflag:s6] =	ssyncadd.s32 $0xFFFFF980  }
0xa0: {  	[tilespmem:s10], [sflag:$0x1] =	stream.indirect.gather [hbm4b:s8+s9], $0x80, s2, s9, $0xb8;
	[tilespmem:$0xB800] =	vst v63  }
0xa1: {  	_ =	swait.ge [sflag:s11], $0x4000  }
0xa2: {  	[sflag:s11] =	ssyncset.done $0x0  }
0xa3: {  	[sflag:s11] =	ssyncadd.s32 $0xFFFFC000  }
0xa4: {  	[spmem:s1] =	stream.indirect.scatter.add.f32 [tilespmem:s10], [sflag:$0x2], $0x80, s7, s9, $0xb8;
	[tilespmem:$0xB800] =	vst v63  }
0xa5: {  	_ =	swait.ge [sflag:s6], $0x4000  }
0xa6: {  	[sflag:s6] =	ssyncset.done $0x0  }
0xa7: {  	[sflag:s6] =	ssyncadd.s32 $0xFFFFC000  }
0xa8: {  	[tilespmem:s10], [sflag:$0x1] =	stream.indirect.gather [hbm4b:s8+s9], $0x80, s9, s9, $0xb8;
	[tilespmem:$0xB800] =	vst v63  }
0xa9: {  	_ =	swait.ge [sflag:s11], $0x4000  }
0xaa: {  	[sflag:s11] =	ssyncset.done $0x0  }
0xab: {  	s0 =	rddreg [dreg:$0x7];
	[sflag:s11] =	ssyncadd.s32 $0xFFFFC000  }
0xac: {  	[spmem:s1] =	stream.indirect.scatter.add.f32 [tilespmem:s10], [sflag:$0x2], $0x80, s0, s9, $0xb8;
	[tilespmem:$0xB800] =	vst v63  }
0xad: {  	_ =	swait.ge [sflag:s6], $0x4000  }
0xae: {  	[sflag:s6] =	ssyncset.done $0x0  }
0xaf: {  	s0 =	rddreg [dreg:$0x8];
	[sflag:s6] =	ssyncadd.s32 $0xFFFFC000  }
0xb0: {  	[tilespmem:s10], [sflag:$0x1] =	stream.indirect.gather [hbm4b:s8+s9], $0x80, s0, s9, $0xb8;
	[tilespmem:$0xB800] =	vst v63  }
0xb1: {  	_ =	swait.ge [sflag:s11], $0x4000  }
0xb2: {  	[sflag:s11] =	ssyncset.done $0x0  }
0xb3: {  	s0 =	rddreg [dreg:$0x9];
	[sflag:s11] =	ssyncadd.s32 $0xFFFFC000  }
0xb4: {  	[spmem:s1] =	stream.indirect.scatter.add.f32 [tilespmem:s10], [sflag:$0x2], $0x80, s0, s9, $0xb8;
	[tilespmem:$0xB800] =	vst v63  }
0xb5: {  	_ =	swait.ge [sflag:s6], $0x4000  }
0xb6: {  	[sflag:s6] =	ssyncset.done $0x0  }
0xb7: {  	s0 =	rddreg [dreg:$0xa];
	[sflag:s6] =	ssyncadd.s32 $0xFFFFC000  }
0xb8: {  	[tilespmem:s10], [sflag:$0x1] =	stream.indirect.gather [hbm4b:s8+s9], $0x80, s0, s9, $0xb8;
	[tilespmem:$0xB800] =	vst v63  }
0xb9: {  	_ =	swait.ge [sflag:s11], $0x4000  }
0xba: {  	[sflag:s11] =	ssyncset.done $0x0  }
0xbb: {  	s0 =	rddreg [dreg:$0xb];
	[sflag:s11] =	ssyncadd.s32 $0xFFFFC000  }
0xbc: {  	[spmem:s1] =	stream.indirect.scatter.add.f32 [tilespmem:s10], [sflag:$0x2], $0x80, s0, s9, $0xb8;
	[tilespmem:$0xB800] =	vst v63  }
0xbd: {  	_ =	swait.ge [sflag:s6], $0x4000  }
0xbe: {  	[sflag:s6] =	ssyncset.done $0x0  }
0xbf: {  	[sflag:s6] =	ssyncadd.s32 $0xFFFFC000  }
0xc0: {  	[tilespmem:s10], [sflag:$0x1] =	stream.indirect.gather [hbm4b:s8+s9], $0x80, s12, s9, $0xb8;
	[tilespmem:$0xB800] =	vst v63  }
0xc1: {  	_ =	swait.ge [sflag:s11], $0x4000  }
0xc2: {  	[sflag:s11] =	ssyncset.done $0x0  }
0xc3: {  	[sflag:s11] =	ssyncadd.s32 $0xFFFFC000  }
0xc4: {  	[spmem:s1] =	stream.indirect.scatter.add.f32 [tilespmem:s10], [sflag:$0x2], $0x80, s13, s9, $0xb8;
	[tilespmem:$0xB800] =	vst v63  }
0xc5: {  	_ =	swait.ge [sflag:s6], $0x4000  }
0xc6: {  	[sflag:s6] =	ssyncset.done $0x0  }
0xc7: {  	[sflag:s6] =	ssyncadd.s32 $0xFFFFC000  }
0xc8: {  	[tilespmem:s10], [sflag:$0x1] =	stream.indirect.gather [hbm4b:s8+s9], $0x80, s14, s9, $0xb8;
	[tilespmem:$0xB800] =	vst v63  }
0xc9: {  	_ =	swait.ge [sflag:s11], $0x4000  }
0xca: {  	[sflag:s11] =	ssyncset.done $0x0  }
0xcb: {  	[sflag:s11] =	ssyncadd.s32 $0xFFFFC000  }
0xcc: {  	[spmem:s1] =	stream.indirect.scatter.add.f32 [tilespmem:s10], [sflag:$0x2], $0x80, s15, s9, $0xb8;
	[tilespmem:$0xB800] =	vst v63  }
0xcd: {  	_ =	swait.ge [sflag:s6], $0x4000  }
0xce: {  	[sflag:s6] =	ssyncset.done $0x0  }
0xcf: {  	[sflag:s6] =	ssyncadd.s32 $0xFFFFC000  }
0xd0: {  	[tilespmem:s10], [sflag:$0x1] =	stream.indirect.gather [hbm4b:s8+s9], $0x80, s16, s9, $0xb8;
	[tilespmem:$0xB800] =	vst v63  }
0xd1: {  	_ =	swait.ge [sflag:s11], $0x4000  }
0xd2: {  	[sflag:s11] =	ssyncset.done $0x0  }
0xd3: {  	[sflag:s11] =	ssyncadd.s32 $0xFFFFC000  }
0xd4: {  	[spmem:s1] =	stream.indirect.scatter.add.f32 [tilespmem:s10], [sflag:$0x2], $0x80, s17, s9, $0xb8;
	[tilespmem:$0xB800] =	vst v63  }
0xd5: {  	_ =	swait.ge [sflag:s6], $0x4000  }
0xd6: {  	[sflag:s6] =	ssyncset.done $0x0  }
0xd7: {  	[sflag:s6] =	ssyncadd.s32 $0xFFFFC000  }
0xd8: {  	[tilespmem:s10], [sflag:$0x1] =	stream.indirect.gather [hbm4b:s8+s9], $0x80, s18, s9, $0xb8;
	[tilespmem:$0xB800] =	vst v63  }
0xd9: {  	_ =	swait.ge [sflag:s11], $0x4000  }
0xda: {  	[sflag:s11] =	ssyncset.done $0x0  }
0xdb: {  	[sflag:s11] =	ssyncadd.s32 $0xFFFFC000  }
0xdc: {  	[spmem:s1] =	stream.indirect.scatter.add.f32 [tilespmem:s10], [sflag:$0x2], $0x80, s19, s9, $0xb8;
	[tilespmem:$0xB800] =	vst v63  }
0xdd: {  	_ =	swait.ge [sflag:s6], $0x4000  }
0xde: {  	[sflag:s6] =	ssyncset.done $0x0  }
0xdf: {  	[sflag:s6] =	ssyncadd.s32 $0xFFFFC000  }
0xe0: {  	[tilespmem:s10], [sflag:$0x1] =	stream.indirect.gather [hbm4b:s8+s9], $0x80, s20, s9, $0xb8;
	[tilespmem:$0xB800] =	vst v63  }
0xe1: {  	_ =	swait.ge [sflag:s11], $0x4000  }
0xe2: {  	[sflag:s11] =	ssyncset.done $0x0  }
0xe3: {  	[sflag:s11] =	ssyncadd.s32 $0xFFFFC000  }
0xe4: {  	[spmem:s1] =	stream.indirect.scatter.add.f32 [tilespmem:s10], [sflag:$0x2], $0x80, s21, s9, $0xb8;
	[tilespmem:$0xB800] =	vst v63  }
0xe5: {  	_ =	swait.ge [sflag:s6], $0x4000  }
0xe6: {  	[sflag:s6] =	ssyncset.done $0x0  }
0xe7: {  	[sflag:s6] =	ssyncadd.s32 $0xFFFFC000  }
0xe8: {  	[tilespmem:s10], [sflag:$0x1] =	stream.indirect.gather [hbm4b:s8+s9], $0x80, s22, s9, $0xb8;
	[tilespmem:$0xB800] =	vst v63  }
0xe9: {  	_ =	swait.ge [sflag:s11], $0x4000  }
0xea: {  	[sflag:s11] =	ssyncset.done $0x0  }
0xeb: {  	[sflag:s11] =	ssyncadd.s32 $0xFFFFC000  }
0xec: {  	[spmem:s1] =	stream.indirect.scatter.add.f32 [tilespmem:s10], [sflag:$0x2], $0x80, s23, s9, $0xb8;
	[tilespmem:$0xB800] =	vst v63  }
0xed: {  	_ =	swait.ge [sflag:s6], $0x4000  }
0xee: {  	[sflag:s6] =	ssyncset.done $0x0  }
0xef: {  	[sflag:s6] =	ssyncadd.s32 $0xFFFFC000  }
0xf0: {  	[tilespmem:s10], [sflag:$0x1] =	stream.indirect.gather [hbm4b:s8+s9], $0x80, s24, s9, $0xb8;
	[tilespmem:$0xB800] =	vst v63  }
0xf1: {  	_ =	swait.ge [sflag:s11], $0x4000  }
0xf2: {  	[sflag:s11] =	ssyncset.done $0x0  }
0xf3: {  	[sflag:s11] =	ssyncadd.s32 $0xFFFFC000  }
0xf4: {  	[spmem:s1] =	stream.indirect.scatter.add.f32 [tilespmem:s10], [sflag:$0x2], $0x80, s25, s9, $0xb8;
	[tilespmem:$0xB800] =	vst v63  }
0xf5: {  	_ =	swait.ge [sflag:s6], $0x4000  }
0xf6: {  	[sflag:s6] =	ssyncset.done $0x0  }
0xf7: {  	[sflag:s6] =	ssyncadd.s32 $0xFFFFC000  }
0xf8: {  	[tilespmem:s10], [sflag:$0x1] =	stream.indirect.gather [hbm4b:s8+s9], $0x80, s26, s9, $0xb8;
	[tilespmem:$0xB800] =	vst v63  }
0xf9: {  	_ =	swait.ge [sflag:s11], $0x4000  }
0xfa: {  	[sflag:s11] =	ssyncset.done $0x0  }
0xfb: {  	[sflag:s11] =	ssyncadd.s32 $0xFFFFC000  }
0xfc: {  	[spmem:s1] =	stream.indirect.scatter.add.f32 [tilespmem:s10], [sflag:$0x2], $0x80, s28, s9, $0xb8;
	[tilespmem:$0xB800] =	vst v63  }
0xfd: {  	_ =	swait.ge [sflag:s6], $0x4000  }
0xfe: {  	[sflag:s6] =	ssyncset.done $0x0  }
0xff: {  	[sflag:s6] =	ssyncadd.s32 $0xFFFFC000  }
0x100: {  	[tilespmem:s10], [sflag:$0x1] =	stream.indirect.gather [hbm4b:s8+s9], $0x80, s29, s9, $0xb8;
	[tilespmem:$0xB800] =	vst v63  }
0x101: {  	_ =	swait.ge [sflag:s11], $0x4000  }
0x102: {  	[sflag:s11] =	ssyncset.done $0x0  }
0x103: {  	[sflag:s11] =	ssyncadd.s32 $0xFFFFC000  }
0x104: {  	[spmem:s1] =	stream.indirect.scatter.add.f32 [tilespmem:s10], [sflag:$0x2], $0x80, s30, s9, $0xb8;
	[tilespmem:$0xB800] =	vst v63  }
0x105: {  	s31 =	sadd.s32 $0xFFFFFFFF, s31;
	_ =	swait.ge [sflag:s6], $0x4000  }
0x106: {  	p1 =	sne.s32 s31, $0x0;
	[sflag:s6] =	ssyncset.done $0x0  }
.Ltmp1:
0x107: {  	[sflag:s6] =	ssyncadd.s32 $0xFFFFC000;
	(pc) =	sbr.rel @p1 .LBB2_1-.Ltmp1, $4  }
0x108: {  	[bflag:$0x0] =	sbarrier.arrive $0xFFFF  }
0x109: {  	s0 =	rddreg [dreg:$0x6]  }
0x10a: {  	[hbm:s0], [sflag:s5] =	dma.local @!p0 [spmem:s4], $0xD000  }
0x10b: {  	_ =	swait.ge @!p0 [sflag:s3], $0xD000  }
.LBB2_2:
0x10c: {  	[sflag:s3] =	ssyncset.done @!p0 $0x0  }
0x10d: {  	[sflag:s3] =	ssyncadd.s32 @!p0 $0xFFFF3000  }
0x10e: {  	_ =	sfence.sel $0x180000  }
0x10f: {  	[bflag:$0x0] =	sbarrier.arrive $0xFFFF  }
0x110: {  	_ =	strace $0x90000047  }
0x111: {  	[bflag:$0x2] =	sbarrier.arrive $0xFFFF  }
0x112: {  	s0 =	rddreg [dreg:$0x2]  }
0x113: {  	s0 =	sadd.s32 @!p0 $0x100000, s0  }
0x114: {  	[sflag:s0] =	ssyncadd.tile.s32 @!p0 $0x1;
	_ =	shalt  }
.Lfunc_end2:
_tile_overlayer_lowered:
.L_overlay_start_2:
0x115: {  	(tag) =	ssettag $0x2  }
0x116: {  	s0 =	rddreg [dreg:$0x0];
	s2 =	stileid.u32  }
0x117: {  	s1 =	rddreg [dreg:$0x1];
	p0 =	sne.s32 s2, $0x0  }
0x118: {  	s3 =	rddreg [dreg:$0x2];
	[bflag:$0x3] =	sbarrier.arrive $0xFFFF;
	s2 =	simm.s32 @!p0 $0x1C02  }
0x119: {  	[timem:s3], [sflag:s2] =	dma.local @!p0 [hbm:s0], s1  }
0x11a: {  	s0 =	simm.s32 @!p0 $0x2  }
0x11b: {  	_ =	swait.ge @!p0 [sflag:s0], s1  }
0x11c: {  	s1 =	ssub.s32 @!p0 $0x0, s1;
	[sflag:s0] =	ssyncset.done @!p0 $0x0  }
0x11d: {  	[sflag:s0] =	ssyncadd.s32 @!p0 s1  }
0x11e: {  	[bflag:$0x3] =	sbarrier.arrive $0xFFFF  }
0x11f: {  	_ =	shalt  }

</sc_bundles>
